<compile_context>
chip_gen: v7x
topology: tpu7x:2x2x1
jax: 0.10.2.dev20260603
libtpu: 0.0.44.dev20260713+nightly
codegen_flags: <defaults>
</compile_context>

<pallas_src>
import functools

import jax
import jax.numpy as jnp
from jax import lax
from jax.experimental import pallas as pl
from jax.experimental.pallas import tpu as pltpu
from jax.experimental.pallas import tpu_sc as plsc

_NUM_EXPERTS = 64
_TOPK = 2
_RANK = 8
_ALPHA = 16.0
_SCALE = _ALPHA / float(_RANK)
_LANES = 16
_N_WORKERS = 32


def _logits_body(h_ref, w_ref, lg_ref):
    lg_ref[...] = lax.dot_general(
        h_ref[...], w_ref[...], (((1,), (1,)), ((), ())),
        preferred_element_type=jnp.float32)


def _lows_body(h_ref, aq_ref, av_ref, lq_ref, lv_ref):
    f32 = jnp.float32
    bf = jnp.bfloat16
    hb = h_ref[...].astype(bf)
    lq_ref[...] = jnp.dot(hb, aq_ref[...].astype(bf),
                          preferred_element_type=f32).astype(bf)
    lv_ref[...] = jnp.dot(hb, av_ref[...].astype(bf),
                          preferred_element_type=f32).astype(bf)


def _router_sc_body(lg_hbm, gates_hbm, lg_v, gates_v):
    wid = lax.axis_index("s") * 2 + lax.axis_index("c")
    per = 2048 // _N_WORKERS
    base = wid * per
    pltpu.sync_copy(lg_hbm.at[pl.ds(base, per)], lg_v)
    neg = jnp.float32(-3.0e38)
    big = jnp.int32(10_000)

    def allmax(v):
        for sh in (8, 4, 2, 1):
            idx = (lax.iota(jnp.int32, _LANES) + sh) & (_LANES - 1)
            v = jnp.maximum(v, v.at[idx].get(mode="promise_in_bounds"))
        return v

    def allmin(v):
        for sh in (8, 4, 2, 1):
            idx = (lax.iota(jnp.int32, _LANES) + sh) & (_LANES - 1)
            v = jnp.minimum(v, v.at[idx].get(mode="promise_in_bounds"))
        return v

    def argtop(vs, cols, m):
        cands = [jnp.where(v == m, col, big) for v, col in zip(vs, cols)]
        return allmin(jnp.minimum(jnp.minimum(cands[0], cands[1]),
                                  jnp.minimum(cands[2], cands[3])))

    def token(t, carry):
        vs = [lg_v[t, pl.ds(c * _LANES, _LANES)] for c in range(4)]
        cols = [lax.iota(jnp.int32, _LANES) + c * _LANES for c in range(4)]
        m1 = allmax(jnp.maximum(jnp.maximum(vs[0], vs[1]),
                                jnp.maximum(vs[2], vs[3])))
        i1 = argtop(vs, cols, m1)
        v2s = [jnp.where(cols[c] == i1, neg, vs[c]) for c in range(4)]
        m2 = allmax(jnp.maximum(jnp.maximum(v2s[0], v2s[1]),
                                jnp.maximum(v2s[2], v2s[3])))
        i2 = argtop(v2s, cols, m2)
        ev = jnp.exp(m2 - m1)
        g1 = _SCALE / (1.0 + ev)
        g2 = g1 * ev
        zero = jnp.zeros((_LANES,), jnp.float32)
        for c in range(4):
            out_c = (jnp.where(cols[c] == i1, g1, zero)
                     + jnp.where(cols[c] == i2, g2, zero))
            gates_v[t, pl.ds(c * _LANES, _LANES)] = out_c
        return carry

    lax.fori_loop(0, per, token, 0)
    pltpu.sync_copy(gates_v, gates_hbm.at[pl.ds(base, per)])


def _stage_c_body(lq_ref, lv_ref, g_ref, bq_ref, bv_ref, qo_ref, vo_ref):
    f32 = jnp.float32
    bf = jnp.bfloat16
    gates = g_ref[...]
    erow = lax.broadcasted_iota(jnp.int32, (_NUM_EXPERTS, _NUM_EXPERTS * _RANK), 0)
    ecol = lax.broadcasted_iota(jnp.int32, (_NUM_EXPERTS, _NUM_EXPERTS * _RANK), 1)
    expand = jnp.where(erow == ecol // _RANK, 1.0, 0.0).astype(bf)
    gexp = jnp.dot(gates.astype(bf), expand, preferred_element_type=f32)
    glow_q = (lq_ref[...].astype(f32) * gexp).astype(bf)
    qo_ref[...] = jnp.dot(glow_q, bq_ref[...].astype(bf), preferred_element_type=f32)
    glow_v = (lv_ref[...].astype(f32) * gexp).astype(bf)
    vo_ref[...] = jnp.dot(glow_v, bv_ref[...].astype(bf), preferred_element_type=f32)


def kernel(hidden_states, router_weight, q_lora_a, q_lora_b, v_lora_a, v_lora_b):
    orig_shape = hidden_states.shape[:-1]
    d_model = hidden_states.shape[-1]
    h = hidden_states.reshape(-1, d_model)
    n = h.shape[0]
    e, _, r = q_lora_a.shape
    q_out = q_lora_b.shape[-1]
    v_out = v_lora_b.shape[-1]
    f32 = jnp.float32
    bf = jnp.bfloat16

    aq = q_lora_a.transpose(1, 0, 2).reshape(d_model, e * r)
    av = v_lora_a.transpose(1, 0, 2).reshape(d_model, e * r)
    bq = q_lora_b.reshape(e * r, q_out)
    bv = v_lora_b.reshape(e * r, v_out)

    tile = 1024
    grid = (n // tile,)
    const_spec = lambda shape: pl.BlockSpec(shape, lambda i: (0, 0))

    logits = pl.pallas_call(
        _logits_body,
        grid=grid,
        in_specs=[
            pl.BlockSpec((tile, d_model), lambda i: (i, 0)),
            const_spec((e, d_model)),
        ],
        out_specs=pl.BlockSpec((tile, e), lambda i: (i, 0)),
        out_shape=jax.ShapeDtypeStruct((n, e), f32),
    )(h, router_weight)

    low_q, low_v = pl.pallas_call(
        _lows_body,
        grid=grid,
        in_specs=[
            pl.BlockSpec((tile, d_model), lambda i: (i, 0)),
            const_spec((d_model, e * r)),
            const_spec((d_model, e * r)),
        ],
        out_specs=[
            pl.BlockSpec((tile, e * r), lambda i: (i, 0)),
            pl.BlockSpec((tile, e * r), lambda i: (i, 0)),
        ],
        out_shape=[
            jax.ShapeDtypeStruct((n, e * r), bf),
            jax.ShapeDtypeStruct((n, e * r), bf),
        ],
    )(h, aq, av)

    per = n // _N_WORKERS
    router = functools.partial(
        pl.kernel,
        mesh=plsc.VectorSubcoreMesh(core_axis_name="c", subcore_axis_name="s"),
        out_type=jax.ShapeDtypeStruct((n, e), f32),
        scratch_types=[
            pltpu.VMEM((per, e), f32),
            pltpu.VMEM((per, e), f32),
        ],
    )(_router_sc_body)
    gates = router(logits)

    qo, vo = pl.pallas_call(
        _stage_c_body,
        grid=grid,
        in_specs=[
            pl.BlockSpec((tile, e * r), lambda i: (i, 0)),
            pl.BlockSpec((tile, e * r), lambda i: (i, 0)),
            pl.BlockSpec((tile, e), lambda i: (i, 0)),
            const_spec((e * r, q_out)),
            const_spec((e * r, v_out)),
        ],
        out_specs=[
            pl.BlockSpec((tile, q_out), lambda i: (i, 0)),
            pl.BlockSpec((tile, v_out), lambda i: (i, 0)),
        ],
        out_shape=[
            jax.ShapeDtypeStruct((n, q_out), f32),
            jax.ShapeDtypeStruct((n, v_out), f32),
        ],
    )(low_q, low_v, gates, bq, bv)
    return (qo.reshape(orig_shape + (q_out,)), vo.reshape(orig_shape + (v_out,)))

# --- scband reference (transcript-rebuilt; emitter-appended) ---
"""Pipeline reference for scband-qvlora-expert-router-42382737277297 (READ-ONLY COPY).

The authoritative reference and input builder live on the scoring server;
editing this copy changes nothing except your own understanding.
"""

import jax, jax.numpy as jnp
import numpy as np

NUM_EXPERTS = 64
TOPK = 2
RANK = 8
ALPHA = 16.0
D_MODEL = 1024
Q_OUT = 1024
V_OUT = 1024
BATCH = 1
SEQ = 2048


def setup_inputs(seed: int = 0) -> dict:
    key = jax.random.key(seed)
    ks = jax.random.split(key, 6)
    hidden_states = jax.random.normal(ks[0], (BATCH, SEQ, D_MODEL), dtype=jnp.float32)
    router_weight = jax.random.normal(ks[1], (NUM_EXPERTS, D_MODEL), dtype=jnp.float32) * 0.02
    q_lora_a = jax.random.normal(ks[2], (NUM_EXPERTS, D_MODEL, RANK), dtype=jnp.float32) * 0.02
    q_lora_b = jax.random.normal(ks[3], (NUM_EXPERTS, RANK, Q_OUT), dtype=jnp.float32) * 0.02
    v_lora_a = jax.random.normal(ks[4], (NUM_EXPERTS, D_MODEL, RANK), dtype=jnp.float32) * 0.02
    v_lora_b = jax.random.normal(ks[5], (NUM_EXPERTS, RANK, V_OUT), dtype=jnp.float32) * 0.02
    return {
        "hidden_states": hidden_states,
        "router_weight": router_weight,
        "q_lora_a": q_lora_a,
        "q_lora_b": q_lora_b,
        "v_lora_a": v_lora_a,
        "v_lora_b": v_lora_b,
    }


def reference(hidden_states, router_weight, q_lora_a, q_lora_b, v_lora_a, v_lora_b):
    scale = ALPHA / float(max(RANK, 1))
    original_shape = hidden_states.shape[:-1]
    hidden_flat = hidden_states.reshape(-1, hidden_states.shape[-1])
    # Router: logits -> softmax -> top-k with renormalization
    router_logits = hidden_flat @ router_weight.T
    router_probs = jax.nn.softmax(router_logits, axis=-1)
    expert_scores, expert_idx = jax.lax.top_k(router_probs, TOPK)
    expert_scores = expert_scores / (jnp.sum(expert_scores, axis=-1, keepdims=True) + 1e-20)
    num_tokens = hidden_flat.shape[0]
    # Gather per-token expert LoRA factors (SparseCore-style gathers)
    sel_qa = jnp.take(q_lora_a, expert_idx, axis=0)  # [n, k, d, r]
    sel_qb = jnp.take(q_lora_b, expert_idx, axis=0)  # [n, k, r, q]
    sel_va = jnp.take(v_lora_a, expert_idx, axis=0)  # [n, k, d, r]
    sel_vb = jnp.take(v_lora_b, expert_idx, axis=0)  # [n, k, r, v]
    scores = (expert_scores * scale)[..., None]  # [n, k, 1]
    q_low = jnp.einsum('nd,nkdr->nkr', hidden_flat, sel_qa)
    v_low = jnp.einsum('nd,nkdr->nkr', hidden_flat, sel_va)
    q_out = jnp.einsum('nkr,nkrq->nkq', q_low, sel_qb)
    v_out = jnp.einsum('nkr,nkrv->nkv', v_low, sel_vb)
    q_delta = jnp.sum(q_out * scores, axis=1)
    v_delta = jnp.sum(v_out * scores, axis=1)
    q_delta = q_delta.reshape(original_shape + (Q_OUT,))
    v_delta = v_delta.reshape(original_shape + (V_OUT,))
    return (q_delta, v_delta)

if __name__ == "__main__":
    import jax
    _d = setup_inputs()
    print(jax.jit(kernel)(*tuple(_d.values())))

</pallas_src>

<mosaic_0001>
#map = affine_map<(d0, d1) -> (0, 0)>
module attributes {stable_mosaic.version = 14 : i64} {
  func.func @_router_sc_body(%arg0: i32, %arg1: i32, %arg2: memref<2048x64xf32, #tpu.memory_space<hbm>>, %arg3: memref<2048x64xf32, #tpu.memory_space<hbm>>, %arg4: memref<64x64xf32, #tpu.memory_space<vmem>>, %arg5: memref<64x64xf32, #tpu.memory_space<vmem>>) attributes {dimension_semantics = [#tpu.dimension_semantics<core_parallel>, #tpu.dimension_semantics<subcore_parallel>], iteration_bounds = array<i64: 2, 16>, scalar_prefetch = 0 : i64, scratch_operands = 2 : i64, tpu.core_type = #tpu.core_type<sc_vector_subcore>, window_params = [{transform_indices = #map}, {transform_indices = #map}]} {
    %mul3A = arith.constant 2 : i32
    %mul3A_0 = arith.muli %arg1, %mul3A : i32
    %add3A = arith.addi %mul3A_0, %arg0 : i32
    %mul3A_1 = arith.constant 64 : i32
    %mul3A_2 = arith.muli %add3A, %mul3A_1 : i32
    "tpu.region"() ({
      %run_scoped3A = tpu.sem_alloc : memref<!tpu.dma_semaphore, #tpu.memory_space<semaphore_mem>>
      %dma_start3A = arith.constant 0 : i32
      %dma_start3A_10 = tpu.memref_slice %arg2[%mul3A_2, %dma_start3A] : memref<2048x64xf32, #tpu.memory_space<hbm>> -> memref<64x64xf32, #tpu.memory_space<hbm>>
      %dma_start3A_11 = arith.constant 0 : i32
      %dma_start3A_12 = tpu.memref_slice %arg2[%mul3A_2, %dma_start3A_11] : memref<2048x64xf32, #tpu.memory_space<hbm>> -> memref<64x64xf32, #tpu.memory_space<hbm>>
      tpu.enqueue_dma source(%dma_start3A_12 : memref<64x64xf32, #tpu.memory_space<hbm>>) target(%arg4 : memref<64x64xf32, #tpu.memory_space<vmem>>) target_semaphore(%run_scoped3A : memref<!tpu.dma_semaphore, #tpu.memory_space<semaphore_mem>>)
      %dma_wait3A = arith.constant 0 : i32
      %dma_wait3A_13 = tpu.memref_slice %arg2[%mul3A_2, %dma_wait3A] : memref<2048x64xf32, #tpu.memory_space<hbm>> -> memref<64x64xf32, #tpu.memory_space<hbm>>
      %dma_wait3A_14 = arith.constant 0 : i32
      %dma_wait3A_15 = tpu.memref_slice %arg2[%mul3A_2, %dma_wait3A_14] : memref<2048x64xf32, #tpu.memory_space<hbm>> -> memref<64x64xf32, #tpu.memory_space<hbm>>
      tpu.wait_dma2 semaphore(%run_scoped3A : memref<!tpu.dma_semaphore, #tpu.memory_space<semaphore_mem>>) src(%dma_wait3A_15 : memref<64x64xf32, #tpu.memory_space<hbm>>) dst(%arg4 : memref<64x64xf32, #tpu.memory_space<vmem>>)
      tpu.yield
    }) : () -> ()
    %scan3A = arith.constant 0 : i32
    %scan3A_3 = arith.constant 10000 : i32
    %scan3A_4 = arith.constant -3.000000e+38 : f32
    %scan3A_5 = arith.constant 0 : i32
    %scan3A_6 = arith.constant 64 : i32
    %scan3A_7 = arith.addi %scan3A_5, %scan3A_6 : i32
    %scan3A_8 = arith.constant 1 : i32
    scf.for %scan3A_10 = %scan3A_5 to %scan3A_7 step %scan3A_8  : i32 {
      %get3A = arith.index_cast %scan3A_10 : i32 to index
      %get3A_11 = arith.constant 0 : index
      %get3A_12 = tpu.vector_load %arg4[%get3A, %get3A_11] {strides = array<i32>} : memref<64x64xf32, #tpu.memory_space<vmem>>, vector<1x16xf32>,
      %get3A_13 = vector.shape_cast %get3A_12 : vector<1x16xf32> to vector<16xf32>
      %get3A_14 = arith.index_cast %scan3A_10 : i32 to index
      %get3A_15 = arith.constant 16 : index
      %get3A_16 = tpu.vector_load %arg4[%get3A_14, %get3A_15] {strides = array<i32>} : memref<64x64xf32, #tpu.memory_space<vmem>>, vector<1x16xf32>,
      %get3A_17 = vector.shape_cast %get3A_16 : vector<1x16xf32> to vector<16xf32>
      %get3A_18 = arith.index_cast %scan3A_10 : i32 to index
      %get3A_19 = arith.constant 32 : index
      %get3A_20 = tpu.vector_load %arg4[%get3A_18, %get3A_19] {strides = array<i32>} : memref<64x64xf32, #tpu.memory_space<vmem>>, vector<1x16xf32>,
      %get3A_21 = vector.shape_cast %get3A_20 : vector<1x16xf32> to vector<16xf32>
      %get3A_22 = arith.index_cast %scan3A_10 : i32 to index
      %get3A_23 = arith.constant 48 : index
      %get3A_24 = tpu.vector_load %arg4[%get3A_22, %get3A_23] {strides = array<i32>} : memref<64x64xf32, #tpu.memory_space<vmem>>, vector<1x16xf32>,
      %get3A_25 = vector.shape_cast %get3A_24 : vector<1x16xf32> to vector<16xf32>
      %iota3A = tpu.iota {dimensions = array<i32: 0>} : vector<16xi32>
      %add3A_26 = arith.constant 0 : i32
      %add3A_27 = vector.broadcast %add3A_26 : i32 to vector<16xi32>
      %add3A_28 = arith.addi %iota3A, %add3A_27 : vector<16xi32>
      %iota3A_29 = tpu.iota {dimensions = array<i32: 0>} : vector<16xi32>
      %add3A_30 = arith.constant 16 : i32
      %add3A_31 = vector.broadcast %add3A_30 : i32 to vector<16xi32>
      %add3A_32 = arith.addi %iota3A_29, %add3A_31 : vector<16xi32>
      %iota3A_33 = tpu.iota {dimensions = array<i32: 0>} : vector<16xi32>
      %add3A_34 = arith.constant 32 : i32
      %add3A_35 = vector.broadcast %add3A_34 : i32 to vector<16xi32>
      %add3A_36 = arith.addi %iota3A_33, %add3A_35 : vector<16xi32>
      %iota3A_37 = tpu.iota {dimensions = array<i32: 0>} : vector<16xi32>
      %add3A_38 = arith.constant 48 : i32
      %add3A_39 = vector.broadcast %add3A_38 : i32 to vector<16xi32>
      %add3A_40 = arith.addi %iota3A_37, %add3A_39 : vector<16xi32>
      %max3A = arith.maximumf %get3A_13, %get3A_17 : vector<16xf32>
      %max3A_41 = arith.maximumf %get3A_21, %get3A_25 : vector<16xf32>
      %max3A_42 = arith.maximumf %max3A, %max3A_41 : vector<16xf32>
      %iota3A_43 = tpu.iota {dimensions = array<i32: 0>} : vector<16xi32>
      %add3A_44 = arith.constant 8 : i32
      %add3A_45 = vector.broadcast %add3A_44 : i32 to vector<16xi32>
      %add3A_46 = arith.addi %iota3A_43, %add3A_45 : vector<16xi32>
      %and3A = arith.constant 15 : i32
      %and3A_47 = vector.broadcast %and3A : i32 to vector<16xi32>
      %and3A_48 = arith.andi %add3A_46, %and3A_47 : vector<16xi32>
      %lt3A = arith.constant 0 : i32
      %lt3A_49 = vector.broadcast %lt3A : i32 to vector<16xi32>
      %lt3A_50 = arith.cmpi slt, %and3A_48, %lt3A_49 : vector<16xi32>
      %add3A_51 = arith.constant 16 : i32
      %add3A_52 = vector.broadcast %add3A_51 : i32 to vector<16xi32>
      %add3A_53 = arith.addi %and3A_48, %add3A_52 : vector<16xi32>
      %select_n3A = arith.select %lt3A_50, %add3A_53, %and3A_48 : vector<16xi1>, vector<16xi32>
      %broadcast_in_dim3A = vector.shape_cast %select_n3A : vector<16xi32> to vector<16x1xi32>
      %gather3A = vector.shape_cast %broadcast_in_dim3A : vector<16x1xi32> to vector<16xi32>
      %gather3A_54 = tpu.dynamic_gather %max3A_42[%gather3A] in [0] : vector<16xf32>, vector<16xi32> -> vector<16xf32>
      %max3A_55 = arith.maximumf %max3A_42, %gather3A_54 : vector<16xf32>
      %iota3A_56 = tpu.iota {dimensions = array<i32: 0>} : vector<16xi32>
      %add3A_57 = arith.constant 4 : i32
      %add3A_58 = vector.broadcast %add3A_57 : i32 to vector<16xi32>
      %add3A_59 = arith.addi %iota3A_56, %add3A_58 : vector<16xi32>
      %and3A_60 = arith.constant 15 : i32
      %and3A_61 = vector.broadcast %and3A_60 : i32 to vector<16xi32>
      %and3A_62 = arith.andi %add3A_59, %and3A_61 : vector<16xi32>
      %lt3A_63 = arith.constant 0 : i32
      %lt3A_64 = vector.broadcast %lt3A_63 : i32 to vector<16xi32>
      %lt3A_65 = arith.cmpi slt, %and3A_62, %lt3A_64 : vector<16xi32>
      %add3A_66 = arith.constant 16 : i32
      %add3A_67 = vector.broadcast %add3A_66 : i32 to vector<16xi32>
      %add3A_68 = arith.addi %and3A_62, %add3A_67 : vector<16xi32>
      %select_n3A_69 = arith.select %lt3A_65, %add3A_68, %and3A_62 : vector<16xi1>, vector<16xi32>
      %broadcast_in_dim3A_70 = vector.shape_cast %select_n3A_69 : vector<16xi32> to vector<16x1xi32>
      %gather3A_71 = vector.shape_cast %broadcast_in_dim3A_70 : vector<16x1xi32> to vector<16xi32>
      %gather3A_72 = tpu.dynamic_gather %max3A_55[%gather3A_71] in [0] : vector<16xf32>, vector<16xi32> -> vector<16xf32>
      %max3A_73 = arith.maximumf %max3A_55, %gather3A_72 : vector<16xf32>
      %iota3A_74 = tpu.iota {dimensions = array<i32: 0>} : vector<16xi32>
      %add3A_75 = arith.constant 2 : i32
      %add3A_76 = vector.broadcast %add3A_75 : i32 to vector<16xi32>
      %add3A_77 = arith.addi %iota3A_74, %add3A_76 : vector<16xi32>
      %and3A_78 = arith.constant 15 : i32
      %and3A_79 = vector.broadcast %and3A_78 : i32 to vector<16xi32>
      %and3A_80 = arith.andi %add3A_77, %and3A_79 : vector<16xi32>
      %lt3A_81 = arith.constant 0 : i32
      %lt3A_82 = vector.broadcast %lt3A_81 : i32 to vector<16xi32>
      %lt3A_83 = arith.cmpi slt, %and3A_80, %lt3A_82 : vector<16xi32>
      %add3A_84 = arith.constant 16 : i32
      %add3A_85 = vector.broadcast %add3A_84 : i32 to vector<16xi32>
      %add3A_86 = arith.addi %and3A_80, %add3A_85 : vector<16xi32>
      %select_n3A_87 = arith.select %lt3A_83, %add3A_86, %and3A_80 : vector<16xi1>, vector<16xi32>
      %broadcast_in_dim3A_88 = vector.shape_cast %select_n3A_87 : vector<16xi32> to vector<16x1xi32>
      %gather3A_89 = vector.shape_cast %broadcast_in_dim3A_88 : vector<16x1xi32> to vector<16xi32>
      %gather3A_90 = tpu.dynamic_gather %max3A_73[%gather3A_89] in [0] : vector<16xf32>, vector<16xi32> -> vector<16xf32>
      %max3A_91 = arith.maximumf %max3A_73, %gather3A_90 : vector<16xf32>
      %iota3A_92 = tpu.iota {dimensions = array<i32: 0>} : vector<16xi32>
      %add3A_93 = arith.constant 1 : i32
      %add3A_94 = vector.broadcast %add3A_93 : i32 to vector<16xi32>
      %add3A_95 = arith.addi %iota3A_92, %add3A_94 : vector<16xi32>
      %and3A_96 = arith.constant 15 : i32
      %and3A_97 = vector.broadcast %and3A_96 : i32 to vector<16xi32>
      %and3A_98 = arith.andi %add3A_95, %and3A_97 : vector<16xi32>
      %lt3A_99 = arith.constant 0 : i32
      %lt3A_100 = vector.broadcast %lt3A_99 : i32 to vector<16xi32>
      %lt3A_101 = arith.cmpi slt, %and3A_98, %lt3A_100 : vector<16xi32>
      %add3A_102 = arith.constant 16 : i32
      %add3A_103 = vector.broadcast %add3A_102 : i32 to vector<16xi32>
      %add3A_104 = arith.addi %and3A_98, %add3A_103 : vector<16xi32>
      %select_n3A_105 = arith.select %lt3A_101, %add3A_104, %and3A_98 : vector<16xi1>, vector<16xi32>
      %broadcast_in_dim3A_106 = vector.shape_cast %select_n3A_105 : vector<16xi32> to vector<16x1xi32>
      %gather3A_107 = vector.shape_cast %broadcast_in_dim3A_106 : vector<16x1xi32> to vector<16xi32>
      %gather3A_108 = tpu.dynamic_gather %max3A_91[%gather3A_107] in [0] : vector<16xf32>, vector<16xi32> -> vector<16xf32>
      %max3A_109 = arith.maximumf %max3A_91, %gather3A_108 : vector<16xf32>
      %eq3A = arith.cmpf oeq, %get3A_13, %max3A_109 : vector<16xf32>
      %broadcast_in_dim3A_110 = vector.broadcast %scan3A_3 : i32 to vector<16xi32>
      %select_n3A_111 = arith.select %eq3A, %add3A_28, %broadcast_in_dim3A_110 : vector<16xi1>, vector<16xi32>
      %eq3A_112 = arith.cmpf oeq, %get3A_17, %max3A_109 : vector<16xf32>
      %broadcast_in_dim3A_113 = vector.broadcast %scan3A_3 : i32 to vector<16xi32>
      %select_n3A_114 = arith.select %eq3A_112, %add3A_32, %broadcast_in_dim3A_113 : vector<16xi1>, vector<16xi32>
      %eq3A_115 = arith.cmpf oeq, %get3A_21, %max3A_109 : vector<16xf32>
      %broadcast_in_dim3A_116 = vector.broadcast %scan3A_3 : i32 to vector<16xi32>
      %select_n3A_117 = arith.select %eq3A_115, %add3A_36, %broadcast_in_dim3A_116 : vector<16xi1>, vector<16xi32>
      %eq3A_118 = arith.cmpf oeq, %get3A_25, %max3A_109 : vector<16xf32>
      %broadcast_in_dim3A_119 = vector.broadcast %scan3A_3 : i32 to vector<16xi32>
      %select_n3A_120 = arith.select %eq3A_118, %add3A_40, %broadcast_in_dim3A_119 : vector<16xi1>, vector<16xi32>
      %min3A = arith.minsi %select_n3A_111, %select_n3A_114 : vector<16xi32>
      %min3A_121 = arith.minsi %select_n3A_117, %select_n3A_120 : vector<16xi32>
      %min3A_122 = arith.minsi %min3A, %min3A_121 : vector<16xi32>
      %iota3A_123 = tpu.iota {dimensions = array<i32: 0>} : vector<16xi32>
      %add3A_124 = arith.constant 8 : i32
      %add3A_125 = vector.broadcast %add3A_124 : i32 to vector<16xi32>
      %add3A_126 = arith.addi %iota3A_123, %add3A_125 : vector<16xi32>
      %and3A_127 = arith.constant 15 : i32
      %and3A_128 = vector.broadcast %and3A_127 : i32 to vector<16xi32>
      %and3A_129 = arith.andi %add3A_126, %and3A_128 : vector<16xi32>
      %lt3A_130 = arith.constant 0 : i32
      %lt3A_131 = vector.broadcast %lt3A_130 : i32 to vector<16xi32>
      %lt3A_132 = arith.cmpi slt, %and3A_129, %lt3A_131 : vector<16xi32>
      %add3A_133 = arith.constant 16 : i32
      %add3A_134 = vector.broadcast %add3A_133 : i32 to vector<16xi32>
      %add3A_135 = arith.addi %and3A_129, %add3A_134 : vector<16xi32>
      %select_n3A_136 = arith.select %lt3A_132, %add3A_135, %and3A_129 : vector<16xi1>, vector<16xi32>
      %broadcast_in_dim3A_137 = vector.shape_cast %select_n3A_136 : vector<16xi32> to vector<16x1xi32>
      %gather3A_138 = vector.shape_cast %broadcast_in_dim3A_137 : vector<16x1xi32> to vector<16xi32>
      %gather3A_139 = tpu.dynamic_gather %min3A_122[%gather3A_138] in [0] : vector<16xi32>, vector<16xi32> -> vector<16xi32>
      %min3A_140 = arith.minsi %min3A_122, %gather3A_139 : vector<16xi32>
      %iota3A_141 = tpu.iota {dimensions = array<i32: 0>} : vector<16xi32>
      %add3A_142 = arith.constant 4 : i32
      %add3A_143 = vector.broadcast %add3A_142 : i32 to vector<16xi32>
      %add3A_144 = arith.addi %iota3A_141, %add3A_143 : vector<16xi32>
      %and3A_145 = arith.constant 15 : i32
      %and3A_146 = vector.broadcast %and3A_145 : i32 to vector<16xi32>
      %and3A_147 = arith.andi %add3A_144, %and3A_146 : vector<16xi32>
      %lt3A_148 = arith.constant 0 : i32
      %lt3A_149 = vector.broadcast %lt3A_148 : i32 to vector<16xi32>
      %lt3A_150 = arith.cmpi slt, %and3A_147, %lt3A_149 : vector<16xi32>
      %add3A_151 = arith.constant 16 : i32
      %add3A_152 = vector.broadcast %add3A_151 : i32 to vector<16xi32>
      %add3A_153 = arith.addi %and3A_147, %add3A_152 : vector<16xi32>
      %select_n3A_154 = arith.select %lt3A_150, %add3A_153, %and3A_147 : vector<16xi1>, vector<16xi32>
      %broadcast_in_dim3A_155 = vector.shape_cast %select_n3A_154 : vector<16xi32> to vector<16x1xi32>
      %gather3A_156 = vector.shape_cast %broadcast_in_dim3A_155 : vector<16x1xi32> to vector<16xi32>
      %gather3A_157 = tpu.dynamic_gather %min3A_140[%gather3A_156] in [0] : vector<16xi32>, vector<16xi32> -> vector<16xi32>
      %min3A_158 = arith.minsi %min3A_140, %gather3A_157 : vector<16xi32>
      %iota3A_159 = tpu.iota {dimensions = array<i32: 0>} : vector<16xi32>
      %add3A_160 = arith.constant 2 : i32
      %add3A_161 = vector.broadcast %add3A_160 : i32 to vector<16xi32>
      %add3A_162 = arith.addi %iota3A_159, %add3A_161 : vector<16xi32>
      %and3A_163 = arith.constant 15 : i32
      %and3A_164 = vector.broadcast %and3A_163 : i32 to vector<16xi32>
      %and3A_165 = arith.andi %add3A_162, %and3A_164 : vector<16xi32>
      %lt3A_166 = arith.constant 0 : i32
      %lt3A_167 = vector.broadcast %lt3A_166 : i32 to vector<16xi32>
      %lt3A_168 = arith.cmpi slt, %and3A_165, %lt3A_167 : vector<16xi32>
      %add3A_169 = arith.constant 16 : i32
      %add3A_170 = vector.broadcast %add3A_169 : i32 to vector<16xi32>
      %add3A_171 = arith.addi %and3A_165, %add3A_170 : vector<16xi32>
      %select_n3A_172 = arith.select %lt3A_168, %add3A_171, %and3A_165 : vector<16xi1>, vector<16xi32>
      %broadcast_in_dim3A_173 = vector.shape_cast %select_n3A_172 : vector<16xi32> to vector<16x1xi32>
      %gather3A_174 = vector.shape_cast %broadcast_in_dim3A_173 : vector<16x1xi32> to vector<16xi32>
      %gather3A_175 = tpu.dynamic_gather %min3A_158[%gather3A_174] in [0] : vector<16xi32>, vector<16xi32> -> vector<16xi32>
      %min3A_176 = arith.minsi %min3A_158, %gather3A_175 : vector<16xi32>
      %iota3A_177 = tpu.iota {dimensions = array<i32: 0>} : vector<16xi32>
      %add3A_178 = arith.constant 1 : i32
      %add3A_179 = vector.broadcast %add3A_178 : i32 to vector<16xi32>
      %add3A_180 = arith.addi %iota3A_177, %add3A_179 : vector<16xi32>
      %and3A_181 = arith.constant 15 : i32
      %and3A_182 = vector.broadcast %and3A_181 : i32 to vector<16xi32>
      %and3A_183 = arith.andi %add3A_180, %and3A_182 : vector<16xi32>
      %lt3A_184 = arith.constant 0 : i32
      %lt3A_185 = vector.broadcast %lt3A_184 : i32 to vector<16xi32>
      %lt3A_186 = arith.cmpi slt, %and3A_183, %lt3A_185 : vector<16xi32>
      %add3A_187 = arith.constant 16 : i32
      %add3A_188 = vector.broadcast %add3A_187 : i32 to vector<16xi32>
      %add3A_189 = arith.addi %and3A_183, %add3A_188 : vector<16xi32>
      %select_n3A_190 = arith.select %lt3A_186, %add3A_189, %and3A_183 : vector<16xi1>, vector<16xi32>
      %broadcast_in_dim3A_191 = vector.shape_cast %select_n3A_190 : vector<16xi32> to vector<16x1xi32>
      %gather3A_192 = vector.shape_cast %broadcast_in_dim3A_191 : vector<16x1xi32> to vector<16xi32>
      %gather3A_193 = tpu.dynamic_gather %min3A_176[%gather3A_192] in [0] : vector<16xi32>, vector<16xi32> -> vector<16xi32>
      %min3A_194 = arith.minsi %min3A_176, %gather3A_193 : vector<16xi32>
      %eq3A_195 = arith.cmpi eq, %add3A_28, %min3A_194 : vector<16xi32>
      %broadcast_in_dim3A_196 = vector.broadcast %scan3A_4 : f32 to vector<16xf32>
      %select_n3A_197 = arith.select %eq3A_195, %broadcast_in_dim3A_196, %get3A_13 : vector<16xi1>, vector<16xf32>
      %eq3A_198 = arith.cmpi eq, %add3A_32, %min3A_194 : vector<16xi32>
      %broadcast_in_dim3A_199 = vector.broadcast %scan3A_4 : f32 to vector<16xf32>
      %select_n3A_200 = arith.select %eq3A_198, %broadcast_in_dim3A_199, %get3A_17 : vector<16xi1>, vector<16xf32>
      %eq3A_201 = arith.cmpi eq, %add3A_36, %min3A_194 : vector<16xi32>
      %broadcast_in_dim3A_202 = vector.broadcast %scan3A_4 : f32 to vector<16xf32>
      %select_n3A_203 = arith.select %eq3A_201, %broadcast_in_dim3A_202, %get3A_21 : vector<16xi1>, vector<16xf32>
      %eq3A_204 = arith.cmpi eq, %add3A_40, %min3A_194 : vector<16xi32>
      %broadcast_in_dim3A_205 = vector.broadcast %scan3A_4 : f32 to vector<16xf32>
      %select_n3A_206 = arith.select %eq3A_204, %broadcast_in_dim3A_205, %get3A_25 : vector<16xi1>, vector<16xf32>
      %max3A_207 = arith.maximumf %select_n3A_197, %select_n3A_200 : vector<16xf32>
      %max3A_208 = arith.maximumf %select_n3A_203, %select_n3A_206 : vector<16xf32>
      %max3A_209 = arith.maximumf %max3A_207, %max3A_208 : vector<16xf32>
      %iota3A_210 = tpu.iota {dimensions = array<i32: 0>} : vector<16xi32>
      %add3A_211 = arith.constant 8 : i32
      %add3A_212 = vector.broadcast %add3A_211 : i32 to vector<16xi32>
      %add3A_213 = arith.addi %iota3A_210, %add3A_212 : vector<16xi32>
      %and3A_214 = arith.constant 15 : i32
      %and3A_215 = vector.broadcast %and3A_214 : i32 to vector<16xi32>
      %and3A_216 = arith.andi %add3A_213, %and3A_215 : vector<16xi32>
      %lt3A_217 = arith.constant 0 : i32
      %lt3A_218 = vector.broadcast %lt3A_217 : i32 to vector<16xi32>
      %lt3A_219 = arith.cmpi slt, %and3A_216, %lt3A_218 : vector<16xi32>
      %add3A_220 = arith.constant 16 : i32
      %add3A_221 = vector.broadcast %add3A_220 : i32 to vector<16xi32>
      %add3A_222 = arith.addi %and3A_216, %add3A_221 : vector<16xi32>
      %select_n3A_223 = arith.select %lt3A_219, %add3A_222, %and3A_216 : vector<16xi1>, vector<16xi32>
      %broadcast_in_dim3A_224 = vector.shape_cast %select_n3A_223 : vector<16xi32> to vector<16x1xi32>
      %gather3A_225 = vector.shape_cast %broadcast_in_dim3A_224 : vector<16x1xi32> to vector<16xi32>
      %gather3A_226 = tpu.dynamic_gather %max3A_209[%gather3A_225] in [0] : vector<16xf32>, vector<16xi32> -> vector<16xf32>
      %max3A_227 = arith.maximumf %max3A_209, %gather3A_226 : vector<16xf32>
      %iota3A_228 = tpu.iota {dimensions = array<i32: 0>} : vector<16xi32>
      %add3A_229 = arith.constant 4 : i32
      %add3A_230 = vector.broadcast %add3A_229 : i32 to vector<16xi32>
      %add3A_231 = arith.addi %iota3A_228, %add3A_230 : vector<16xi32>
      %and3A_232 = arith.constant 15 : i32
      %and3A_233 = vector.broadcast %and3A_232 : i32 to vector<16xi32>
      %and3A_234 = arith.andi %add3A_231, %and3A_233 : vector<16xi32>
      %lt3A_235 = arith.constant 0 : i32
      %lt3A_236 = vector.broadcast %lt3A_235 : i32 to vector<16xi32>
      %lt3A_237 = arith.cmpi slt, %and3A_234, %lt3A_236 : vector<16xi32>
      %add3A_238 = arith.constant 16 : i32
      %add3A_239 = vector.broadcast %add3A_238 : i32 to vector<16xi32>
      %add3A_240 = arith.addi %and3A_234, %add3A_239 : vector<16xi32>
      %select_n3A_241 = arith.select %lt3A_237, %add3A_240, %and3A_234 : vector<16xi1>, vector<16xi32>
      %broadcast_in_dim3A_242 = vector.shape_cast %select_n3A_241 : vector<16xi32> to vector<16x1xi32>
      %gather3A_243 = vector.shape_cast %broadcast_in_dim3A_242 : vector<16x1xi32> to vector<16xi32>
      %gather3A_244 = tpu.dynamic_gather %max3A_227[%gather3A_243] in [0] : vector<16xf32>, vector<16xi32> -> vector<16xf32>
      %max3A_245 = arith.maximumf %max3A_227, %gather3A_244 : vector<16xf32>
      %iota3A_246 = tpu.iota {dimensions = array<i32: 0>} : vector<16xi32>
      %add3A_247 = arith.constant 2 : i32
      %add3A_248 = vector.broadcast %add3A_247 : i32 to vector<16xi32>
      %add3A_249 = arith.addi %iota3A_246, %add3A_248 : vector<16xi32>
      %and3A_250 = arith.constant 15 : i32
      %and3A_251 = vector.broadcast %and3A_250 : i32 to vector<16xi32>
      %and3A_252 = arith.andi %add3A_249, %and3A_251 : vector<16xi32>
      %lt3A_253 = arith.constant 0 : i32
      %lt3A_254 = vector.broadcast %lt3A_253 : i32 to vector<16xi32>
      %lt3A_255 = arith.cmpi slt, %and3A_252, %lt3A_254 : vector<16xi32>
      %add3A_256 = arith.constant 16 : i32
      %add3A_257 = vector.broadcast %add3A_256 : i32 to vector<16xi32>
      %add3A_258 = arith.addi %and3A_252, %add3A_257 : vector<16xi32>
      %select_n3A_259 = arith.select %lt3A_255, %add3A_258, %and3A_252 : vector<16xi1>, vector<16xi32>
      %broadcast_in_dim3A_260 = vector.shape_cast %select_n3A_259 : vector<16xi32> to vector<16x1xi32>
      %gather3A_261 = vector.shape_cast %broadcast_in_dim3A_260 : vector<16x1xi32> to vector<16xi32>
      %gather3A_262 = tpu.dynamic_gather %max3A_245[%gather3A_261] in [0] : vector<16xf32>, vector<16xi32> -> vector<16xf32>
      %max3A_263 = arith.maximumf %max3A_245, %gather3A_262 : vector<16xf32>
      %iota3A_264 = tpu.iota {dimensions = array<i32: 0>} : vector<16xi32>
      %add3A_265 = arith.constant 1 : i32
      %add3A_266 = vector.broadcast %add3A_265 : i32 to vector<16xi32>
      %add3A_267 = arith.addi %iota3A_264, %add3A_266 : vector<16xi32>
      %and3A_268 = arith.constant 15 : i32
      %and3A_269 = vector.broadcast %and3A_268 : i32 to vector<16xi32>
      %and3A_270 = arith.andi %add3A_267, %and3A_269 : vector<16xi32>
      %lt3A_271 = arith.constant 0 : i32
      %lt3A_272 = vector.broadcast %lt3A_271 : i32 to vector<16xi32>
      %lt3A_273 = arith.cmpi slt, %and3A_270, %lt3A_272 : vector<16xi32>
      %add3A_274 = arith.constant 16 : i32
      %add3A_275 = vector.broadcast %add3A_274 : i32 to vector<16xi32>
      %add3A_276 = arith.addi %and3A_270, %add3A_275 : vector<16xi32>
      %select_n3A_277 = arith.select %lt3A_273, %add3A_276, %and3A_270 : vector<16xi1>, vector<16xi32>
      %broadcast_in_dim3A_278 = vector.shape_cast %select_n3A_277 : vector<16xi32> to vector<16x1xi32>
      %gather3A_279 = vector.shape_cast %broadcast_in_dim3A_278 : vector<16x1xi32> to vector<16xi32>
      %gather3A_280 = tpu.dynamic_gather %max3A_263[%gather3A_279] in [0] : vector<16xf32>, vector<16xi32> -> vector<16xf32>
      %max3A_281 = arith.maximumf %max3A_263, %gather3A_280 : vector<16xf32>
      %eq3A_282 = arith.cmpf oeq, %select_n3A_197, %max3A_281 : vector<16xf32>
      %broadcast_in_dim3A_283 = vector.broadcast %scan3A_3 : i32 to vector<16xi32>
      %select_n3A_284 = arith.select %eq3A_282, %add3A_28, %broadcast_in_dim3A_283 : vector<16xi1>, vector<16xi32>
      %eq3A_285 = arith.cmpf oeq, %select_n3A_200, %max3A_281 : vector<16xf32>
      %broadcast_in_dim3A_286 = vector.broadcast %scan3A_3 : i32 to vector<16xi32>
      %select_n3A_287 = arith.select %eq3A_285, %add3A_32, %broadcast_in_dim3A_286 : vector<16xi1>, vector<16xi32>
      %eq3A_288 = arith.cmpf oeq, %select_n3A_203, %max3A_281 : vector<16xf32>
      %broadcast_in_dim3A_289 = vector.broadcast %scan3A_3 : i32 to vector<16xi32>
      %select_n3A_290 = arith.select %eq3A_288, %add3A_36, %broadcast_in_dim3A_289 : vector<16xi1>, vector<16xi32>
      %eq3A_291 = arith.cmpf oeq, %select_n3A_206, %max3A_281 : vector<16xf32>
      %broadcast_in_dim3A_292 = vector.broadcast %scan3A_3 : i32 to vector<16xi32>
      %select_n3A_293 = arith.select %eq3A_291, %add3A_40, %broadcast_in_dim3A_292 : vector<16xi1>, vector<16xi32>
      %min3A_294 = arith.minsi %select_n3A_284, %select_n3A_287 : vector<16xi32>
      %min3A_295 = arith.minsi %select_n3A_290, %select_n3A_293 : vector<16xi32>
      %min3A_296 = arith.minsi %min3A_294, %min3A_295 : vector<16xi32>
      %iota3A_297 = tpu.iota {dimensions = array<i32: 0>} : vector<16xi32>
      %add3A_298 = arith.constant 8 : i32
      %add3A_299 = vector.broadcast %add3A_298 : i32 to vector<16xi32>
      %add3A_300 = arith.addi %iota3A_297, %add3A_299 : vector<16xi32>
      %and3A_301 = arith.constant 15 : i32
      %and3A_302 = vector.broadcast %and3A_301 : i32 to vector<16xi32>
      %and3A_303 = arith.andi %add3A_300, %and3A_302 : vector<16xi32>
      %lt3A_304 = arith.constant 0 : i32
      %lt3A_305 = vector.broadcast %lt3A_304 : i32 to vector<16xi32>
      %lt3A_306 = arith.cmpi slt, %and3A_303, %lt3A_305 : vector<16xi32>
      %add3A_307 = arith.constant 16 : i32
      %add3A_308 = vector.broadcast %add3A_307 : i32 to vector<16xi32>
      %add3A_309 = arith.addi %and3A_303, %add3A_308 : vector<16xi32>
      %select_n3A_310 = arith.select %lt3A_306, %add3A_309, %and3A_303 : vector<16xi1>, vector<16xi32>
      %broadcast_in_dim3A_311 = vector.shape_cast %select_n3A_310 : vector<16xi32> to vector<16x1xi32>
      %gather3A_312 = vector.shape_cast %broadcast_in_dim3A_311 : vector<16x1xi32> to vector<16xi32>
      %gather3A_313 = tpu.dynamic_gather %min3A_296[%gather3A_312] in [0] : vector<16xi32>, vector<16xi32> -> vector<16xi32>
      %min3A_314 = arith.minsi %min3A_296, %gather3A_313 : vector<16xi32>
      %iota3A_315 = tpu.iota {dimensions = array<i32: 0>} : vector<16xi32>
      %add3A_316 = arith.constant 4 : i32
      %add3A_317 = vector.broadcast %add3A_316 : i32 to vector<16xi32>
      %add3A_318 = arith.addi %iota3A_315, %add3A_317 : vector<16xi32>
      %and3A_319 = arith.constant 15 : i32
      %and3A_320 = vector.broadcast %and3A_319 : i32 to vector<16xi32>
      %and3A_321 = arith.andi %add3A_318, %and3A_320 : vector<16xi32>
      %lt3A_322 = arith.constant 0 : i32
      %lt3A_323 = vector.broadcast %lt3A_322 : i32 to vector<16xi32>
      %lt3A_324 = arith.cmpi slt, %and3A_321, %lt3A_323 : vector<16xi32>
      %add3A_325 = arith.constant 16 : i32
      %add3A_326 = vector.broadcast %add3A_325 : i32 to vector<16xi32>
      %add3A_327 = arith.addi %and3A_321, %add3A_326 : vector<16xi32>
      %select_n3A_328 = arith.select %lt3A_324, %add3A_327, %and3A_321 : vector<16xi1>, vector<16xi32>
      %broadcast_in_dim3A_329 = vector.shape_cast %select_n3A_328 : vector<16xi32> to vector<16x1xi32>
      %gather3A_330 = vector.shape_cast %broadcast_in_dim3A_329 : vector<16x1xi32> to vector<16xi32>
      %gather3A_331 = tpu.dynamic_gather %min3A_314[%gather3A_330] in [0] : vector<16xi32>, vector<16xi32> -> vector<16xi32>
      %min3A_332 = arith.minsi %min3A_314, %gather3A_331 : vector<16xi32>
      %iota3A_333 = tpu.iota {dimensions = array<i32: 0>} : vector<16xi32>
      %add3A_334 = arith.constant 2 : i32
      %add3A_335 = vector.broadcast %add3A_334 : i32 to vector<16xi32>
      %add3A_336 = arith.addi %iota3A_333, %add3A_335 : vector<16xi32>
      %and3A_337 = arith.constant 15 : i32
      %and3A_338 = vector.broadcast %and3A_337 : i32 to vector<16xi32>
      %and3A_339 = arith.andi %add3A_336, %and3A_338 : vector<16xi32>
      %lt3A_340 = arith.constant 0 : i32
      %lt3A_341 = vector.broadcast %lt3A_340 : i32 to vector<16xi32>
      %lt3A_342 = arith.cmpi slt, %and3A_339, %lt3A_341 : vector<16xi32>
      %add3A_343 = arith.constant 16 : i32
      %add3A_344 = vector.broadcast %add3A_343 : i32 to vector<16xi32>
      %add3A_345 = arith.addi %and3A_339, %add3A_344 : vector<16xi32>
      %select_n3A_346 = arith.select %lt3A_342, %add3A_345, %and3A_339 : vector<16xi1>, vector<16xi32>
      %broadcast_in_dim3A_347 = vector.shape_cast %select_n3A_346 : vector<16xi32> to vector<16x1xi32>
      %gather3A_348 = vector.shape_cast %broadcast_in_dim3A_347 : vector<16x1xi32> to vector<16xi32>
      %gather3A_349 = tpu.dynamic_gather %min3A_332[%gather3A_348] in [0] : vector<16xi32>, vector<16xi32> -> vector<16xi32>
      %min3A_350 = arith.minsi %min3A_332, %gather3A_349 : vector<16xi32>
      %iota3A_351 = tpu.iota {dimensions = array<i32: 0>} : vector<16xi32>
      %add3A_352 = arith.constant 1 : i32
      %add3A_353 = vector.broadcast %add3A_352 : i32 to vector<16xi32>
      %add3A_354 = arith.addi %iota3A_351, %add3A_353 : vector<16xi32>
      %and3A_355 = arith.constant 15 : i32
      %and3A_356 = vector.broadcast %and3A_355 : i32 to vector<16xi32>
      %and3A_357 = arith.andi %add3A_354, %and3A_356 : vector<16xi32>
      %lt3A_358 = arith.constant 0 : i32
      %lt3A_359 = vector.broadcast %lt3A_358 : i32 to vector<16xi32>
      %lt3A_360 = arith.cmpi slt, %and3A_357, %lt3A_359 : vector<16xi32>
      %add3A_361 = arith.constant 16 : i32
      %add3A_362 = vector.broadcast %add3A_361 : i32 to vector<16xi32>
      %add3A_363 = arith.addi %and3A_357, %add3A_362 : vector<16xi32>
      %select_n3A_364 = arith.select %lt3A_360, %add3A_363, %and3A_357 : vector<16xi1>, vector<16xi32>
      %broadcast_in_dim3A_365 = vector.shape_cast %select_n3A_364 : vector<16xi32> to vector<16x1xi32>
      %gather3A_366 = vector.shape_cast %broadcast_in_dim3A_365 : vector<16x1xi32> to vector<16xi32>
      %gather3A_367 = tpu.dynamic_gather %min3A_350[%gather3A_366] in [0] : vector<16xi32>, vector<16xi32> -> vector<16xi32>
      %min3A_368 = arith.minsi %min3A_350, %gather3A_367 : vector<16xi32>
      %sub3A = arith.subf %max3A_281, %max3A_109 : vector<16xf32>
      %exp3A = math.exp %sub3A : vector<16xf32>
      %add3A_369 = arith.constant 1.000000e+00 : f32
      %add3A_370 = vector.broadcast %add3A_369 : f32 to vector<16xf32>
      %add3A_371 = arith.addf %add3A_370, %exp3A : vector<16xf32>
      %div3A = arith.constant 2.000000e+00 : f32
      %div3A_372 = vector.broadcast %div3A : f32 to vector<16xf32>
      %div3A_373 = arith.divf %div3A_372, %add3A_371 : vector<16xf32>
      %mul3A_374 = arith.mulf %div3A_373, %exp3A : vector<16xf32>
      %broadcast_in_dim3A_375 = arith.constant 0.000000e+00 : f32
      %broadcast_in_dim3A_376 = vector.broadcast %broadcast_in_dim3A_375 : f32 to vector<16xf32>
      %eq3A_377 = arith.cmpi eq, %add3A_28, %min3A_194 : vector<16xi32>
      %select_n3A_378 = arith.select %eq3A_377, %div3A_373, %broadcast_in_dim3A_376 : vector<16xi1>, vector<16xf32>
      %eq3A_379 = arith.cmpi eq, %add3A_28, %min3A_368 : vector<16xi32>
      %select_n3A_380 = arith.select %eq3A_379, %mul3A_374, %broadcast_in_dim3A_376 : vector<16xi1>, vector<16xf32>
      %add3A_381 = arith.addf %select_n3A_378, %select_n3A_380 : vector<16xf32>
      %swap3A = arith.index_cast %scan3A_10 : i32 to index
      %swap3A_382 = arith.constant 0 : index
      %swap3A_383 = tpu.vector_load %arg5[%swap3A, %swap3A_382] {strides = array<i32>} : memref<64x64xf32, #tpu.memory_space<vmem>>, vector<1x16xf32>,
      %swap3A_384 = vector.shape_cast %swap3A_383 : vector<1x16xf32> to vector<16xf32>
      %swap3A_385 = vector.shape_cast %add3A_381 : vector<16xf32> to vector<1x16xf32>
      tpu.vector_store %arg5[%swap3A, %swap3A_382], %swap3A_385 {strides = array<i32>} : memref<64x64xf32, #tpu.memory_space<vmem>>, vector<1x16xf32>,
      %eq3A_386 = arith.cmpi eq, %add3A_32, %min3A_194 : vector<16xi32>
      %select_n3A_387 = arith.select %eq3A_386, %div3A_373, %broadcast_in_dim3A_376 : vector<16xi1>, vector<16xf32>
      %eq3A_388 = arith.cmpi eq, %add3A_32, %min3A_368 : vector<16xi32>
      %select_n3A_389 = arith.select %eq3A_388, %mul3A_374, %broadcast_in_dim3A_376 : vector<16xi1>, vector<16xf32>
      %add3A_390 = arith.addf %select_n3A_387, %select_n3A_389 : vector<16xf32>
      %swap3A_391 = arith.index_cast %scan3A_10 : i32 to index
      %swap3A_392 = arith.constant 16 : index
      %swap3A_393 = tpu.vector_load %arg5[%swap3A_391, %swap3A_392] {strides = array<i32>} : memref<64x64xf32, #tpu.memory_space<vmem>>, vector<1x16xf32>,
      %swap3A_394 = vector.shape_cast %swap3A_393 : vector<1x16xf32> to vector<16xf32>
      %swap3A_395 = vector.shape_cast %add3A_390 : vector<16xf32> to vector<1x16xf32>
      tpu.vector_store %arg5[%swap3A_391, %swap3A_392], %swap3A_395 {strides = array<i32>} : memref<64x64xf32, #tpu.memory_space<vmem>>, vector<1x16xf32>,
      %eq3A_396 = arith.cmpi eq, %add3A_36, %min3A_194 : vector<16xi32>
      %select_n3A_397 = arith.select %eq3A_396, %div3A_373, %broadcast_in_dim3A_376 : vector<16xi1>, vector<16xf32>
      %eq3A_398 = arith.cmpi eq, %add3A_36, %min3A_368 : vector<16xi32>
      %select_n3A_399 = arith.select %eq3A_398, %mul3A_374, %broadcast_in_dim3A_376 : vector<16xi1>, vector<16xf32>
      %add3A_400 = arith.addf %select_n3A_397, %select_n3A_399 : vector<16xf32>
      %swap3A_401 = arith.index_cast %scan3A_10 : i32 to index
      %swap3A_402 = arith.constant 32 : index
      %swap3A_403 = tpu.vector_load %arg5[%swap3A_401, %swap3A_402] {strides = array<i32>} : memref<64x64xf32, #tpu.memory_space<vmem>>, vector<1x16xf32>,
      %swap3A_404 = vector.shape_cast %swap3A_403 : vector<1x16xf32> to vector<16xf32>
      %swap3A_405 = vector.shape_cast %add3A_400 : vector<16xf32> to vector<1x16xf32>
      tpu.vector_store %arg5[%swap3A_401, %swap3A_402], %swap3A_405 {strides = array<i32>} : memref<64x64xf32, #tpu.memory_space<vmem>>, vector<1x16xf32>,
      %eq3A_406 = arith.cmpi eq, %add3A_40, %min3A_194 : vector<16xi32>
      %select_n3A_407 = arith.select %eq3A_406, %div3A_373, %broadcast_in_dim3A_376 : vector<16xi1>, vector<16xf32>
      %eq3A_408 = arith.cmpi eq, %add3A_40, %min3A_368 : vector<16xi32>
      %select_n3A_409 = arith.select %eq3A_408, %mul3A_374, %broadcast_in_dim3A_376 : vector<16xi1>, vector<16xf32>
      %add3A_410 = arith.addf %select_n3A_407, %select_n3A_409 : vector<16xf32>
      %swap3A_411 = arith.index_cast %scan3A_10 : i32 to index
      %swap3A_412 = arith.constant 48 : index
      %swap3A_413 = tpu.vector_load %arg5[%swap3A_411, %swap3A_412] {strides = array<i32>} : memref<64x64xf32, #tpu.memory_space<vmem>>, vector<1x16xf32>,
      %swap3A_414 = vector.shape_cast %swap3A_413 : vector<1x16xf32> to vector<16xf32>
      %swap3A_415 = vector.shape_cast %add3A_410 : vector<16xf32> to vector<1x16xf32>
      tpu.vector_store %arg5[%swap3A_411, %swap3A_412], %swap3A_415 {strides = array<i32>} : memref<64x64xf32, #tpu.memory_space<vmem>>, vector<1x16xf32>,
    }
    %scan3A_9 = arith.constant 64 : i32
    "tpu.region"() ({
      %run_scoped3A = tpu.sem_alloc : memref<!tpu.dma_semaphore, #tpu.memory_space<semaphore_mem>>
      %dma_start3A = arith.constant 0 : i32
      %dma_start3A_10 = tpu.memref_slice %arg3[%mul3A_2, %dma_start3A] : memref<2048x64xf32, #tpu.memory_space<hbm>> -> memref<64x64xf32, #tpu.memory_space<hbm>>
      %dma_start3A_11 = arith.constant 0 : i32
      %dma_start3A_12 = tpu.memref_slice %arg3[%mul3A_2, %dma_start3A_11] : memref<2048x64xf32, #tpu.memory_space<hbm>> -> memref<64x64xf32, #tpu.memory_space<hbm>>
      tpu.enqueue_dma source(%arg5 : memref<64x64xf32, #tpu.memory_space<vmem>>) target(%dma_start3A_12 : memref<64x64xf32, #tpu.memory_space<hbm>>) target_semaphore(%run_scoped3A : memref<!tpu.dma_semaphore, #tpu.memory_space<semaphore_mem>>)
      %dma_wait3A = arith.constant 0 : i32
      %dma_wait3A_13 = tpu.memref_slice %arg3[%mul3A_2, %dma_wait3A] : memref<2048x64xf32, #tpu.memory_space<hbm>> -> memref<64x64xf32, #tpu.memory_space<hbm>>
      %dma_wait3A_14 = arith.constant 0 : i32
      %dma_wait3A_15 = tpu.memref_slice %arg3[%mul3A_2, %dma_wait3A_14] : memref<2048x64xf32, #tpu.memory_space<hbm>> -> memref<64x64xf32, #tpu.memory_space<hbm>>
      tpu.wait_dma2 semaphore(%run_scoped3A : memref<!tpu.dma_semaphore, #tpu.memory_space<semaphore_mem>>) src(%arg5 : memref<64x64xf32, #tpu.memory_space<vmem>>) dst(%dma_wait3A_15 : memref<64x64xf32, #tpu.memory_space<hbm>>)
      tpu.yield
    }) : () -> ()
    return
  }
}

module attributes {stable_mosaic.version = 14 : i64} {
  func.func @_lows_body(%arg0: i32, %arg1: memref<1024x1024xf32, #tpu.memory_space<vmem>>, %arg2: memref<1024x512xf32, #tpu.memory_space<vmem>>, %arg3: memref<1024x512xf32, #tpu.memory_space<vmem>>, %arg4: memref<1024x512xbf16, #tpu.memory_space<vmem>>, %arg5: memref<1024x512xbf16, #tpu.memory_space<vmem>>) attributes {dimension_semantics = [#tpu.dimension_semantics<arbitrary>], iteration_bounds = array<i64: 2>, scalar_prefetch = 0 : i64, scratch_operands = 0 : i64, tpu.core_type = #tpu.core_type<tc>, window_params = [{transform_indices = @transform_0, window_bounds = array<i64: 1024, 1024>}, {pipeline_mode = #tpu.pipeline_mode<synchronous>, transform_indices = @transform_1, window_bounds = array<i64: 1024, 512>}, {pipeline_mode = #tpu.pipeline_mode<synchronous>, transform_indices = @transform_2, window_bounds = array<i64: 1024, 512>}, {transform_indices = @transform_3, window_bounds = array<i64: 1024, 512>}, {transform_indices = @transform_4, window_bounds = array<i64: 1024, 512>}]} {
    %get3A = arith.constant 0 : index
    %get3A_0 = arith.constant 0 : index
    %get3A_1 = vector.load %arg1[%get3A, %get3A_0] : memref<1024x1024xf32, #tpu.memory_space<vmem>>, vector<1024x1024xf32>
    %convert_element_type3A = arith.truncf %get3A_1 : vector<1024x1024xf32> to vector<1024x1024xbf16>
    %get3A_2 = arith.constant 0 : index
    %get3A_3 = arith.constant 0 : index
    %get3A_4 = vector.load %arg2[%get3A_2, %get3A_3] : memref<1024x512xf32, #tpu.memory_space<vmem>>, vector<1024x512xf32>
    %convert_element_type3A_5 = arith.truncf %get3A_4 : vector<1024x512xf32> to vector<1024x512xbf16>
    %dot_general3A = arith.constant dense<0.000000e+00> : vector<1024x512xf32>
    %dot_general3A_6 = tpu.matmul %convert_element_type3A, %convert_element_type3A_5, %dot_general3A {dimension_numbers = #tpu.dot_dimension_numbers<[1], [0], [0], [1], [0, 0, 1, 1], [], []>, transpose_lhs_hint = false} : vector<1024x1024xbf16>, vector<1024x512xbf16>, vector<1024x512xf32> -> vector<1024x512xf32>
    %convert_element_type3A_7 = arith.truncf %dot_general3A_6 : vector<1024x512xf32> to vector<1024x512xbf16>
    %swap3A = arith.constant 0 : index
    %swap3A_8 = arith.constant 0 : index
    %swap3A_9 = vector.load %arg4[%swap3A, %swap3A_8] : memref<1024x512xbf16, #tpu.memory_space<vmem>>, vector<1024x512xbf16>
    tpu.vector_store %arg4[%swap3A, %swap3A_8], %convert_element_type3A_7 {strides = array<i32>} : memref<1024x512xbf16, #tpu.memory_space<vmem>>, vector<1024x512xbf16>,
    %get3A_10 = arith.constant 0 : index
    %get3A_11 = arith.constant 0 : index
    %get3A_12 = vector.load %arg3[%get3A_10, %get3A_11] : memref<1024x512xf32, #tpu.memory_space<vmem>>, vector<1024x512xf32>
    %convert_element_type3A_13 = arith.truncf %get3A_12 : vector<1024x512xf32> to vector<1024x512xbf16>
    %dot_general3A_14 = arith.constant dense<0.000000e+00> : vector<1024x512xf32>
    %dot_general3A_15 = tpu.matmul %convert_element_type3A, %convert_element_type3A_13, %dot_general3A_14 {dimension_numbers = #tpu.dot_dimension_numbers<[1], [0], [0], [1], [0, 0, 1, 1], [], []>, transpose_lhs_hint = false} : vector<1024x1024xbf16>, vector<1024x512xbf16>, vector<1024x512xf32> -> vector<1024x512xf32>
    %convert_element_type3A_16 = arith.truncf %dot_general3A_15 : vector<1024x512xf32> to vector<1024x512xbf16>
    %swap3A_17 = arith.constant 0 : index
    %swap3A_18 = arith.constant 0 : index
    %swap3A_19 = vector.load %arg5[%swap3A_17, %swap3A_18] : memref<1024x512xbf16, #tpu.memory_space<vmem>>, vector<1024x512xbf16>
    tpu.vector_store %arg5[%swap3A_17, %swap3A_18], %convert_element_type3A_16 {strides = array<i32>} : memref<1024x512xbf16, #tpu.memory_space<vmem>>, vector<1024x512xbf16>,
    return
  }
  func.func @transform_0(%arg0: i32) -> (i32, i32) {
    %c0_i32 = arith.constant 0 : i32
    %c0_i32_0 = arith.constant 0 : i32
    return %arg0, %c0_i32 : i32, i32
  }
  func.func @transform_1(%arg0: i32) -> (i32, i32) {
    %c0_i32 = arith.constant 0 : i32
    %c0_i32_0 = arith.constant 0 : i32
    %c0_i32_1 = arith.constant 0 : i32
    return %c0_i32, %c0_i32_0 : i32, i32
  }
  func.func @transform_2(%arg0: i32) -> (i32, i32) {
    %c0_i32 = arith.constant 0 : i32
    %c0_i32_0 = arith.constant 0 : i32
    %c0_i32_1 = arith.constant 0 : i32
    return %c0_i32, %c0_i32_0 : i32, i32
  }
  func.func @transform_3(%arg0: i32) -> (i32, i32) {
    %c0_i32 = arith.constant 0 : i32
    %c0_i32_0 = arith.constant 0 : i32
    return %arg0, %c0_i32 : i32, i32
  }
  func.func @transform_4(%arg0: i32) -> (i32, i32) {
    %c0_i32 = arith.constant 0 : i32
    %c0_i32_0 = arith.constant 0 : i32
    return %arg0, %c0_i32 : i32, i32
  }
}

module attributes {stable_mosaic.version = 14 : i64} {
  func.func @_logits_body(%arg0: i32, %arg1: memref<1024x1024xf32, #tpu.memory_space<vmem>>, %arg2: memref<64x1024xf32, #tpu.memory_space<vmem>>, %arg3: memref<1024x64xf32, #tpu.memory_space<vmem>>) attributes {dimension_semantics = [#tpu.dimension_semantics<arbitrary>], iteration_bounds = array<i64: 2>, scalar_prefetch = 0 : i64, scratch_operands = 0 : i64, tpu.core_type = #tpu.core_type<tc>, window_params = [{transform_indices = @transform_0, window_bounds = array<i64: 1024, 1024>}, {pipeline_mode = #tpu.pipeline_mode<synchronous>, transform_indices = @transform_1, window_bounds = array<i64: 64, 1024>}, {transform_indices = @transform_2, window_bounds = array<i64: 1024, 64>}]} {
    %get3A = arith.constant 0 : index
    %get3A_0 = arith.constant 0 : index
    %get3A_1 = vector.load %arg1[%get3A, %get3A_0] : memref<1024x1024xf32, #tpu.memory_space<vmem>>, vector<1024x1024xf32>
    %get3A_2 = arith.constant 0 : index
    %get3A_3 = arith.constant 0 : index
    %get3A_4 = vector.load %arg2[%get3A_2, %get3A_3] : memref<64x1024xf32, #tpu.memory_space<vmem>>, vector<64x1024xf32>
    %dot_general3A = arith.constant dense<0.000000e+00> : vector<1024x64xf32>
    %dot_general3A_5 = tpu.matmul %get3A_1, %get3A_4, %dot_general3A {dimension_numbers = #tpu.dot_dimension_numbers<[1], [1], [0], [0], [0, 0, 1, 0], [], []>, transpose_lhs_hint = false} : vector<1024x1024xf32>, vector<64x1024xf32>, vector<1024x64xf32> -> vector<1024x64xf32>
    %swap3A = arith.constant 0 : index
    %swap3A_6 = arith.constant 0 : index
    %swap3A_7 = vector.load %arg3[%swap3A, %swap3A_6] : memref<1024x64xf32, #tpu.memory_space<vmem>>, vector<1024x64xf32>
    tpu.vector_store %arg3[%swap3A, %swap3A_6], %dot_general3A_5 {strides = array<i32>} : memref<1024x64xf32, #tpu.memory_space<vmem>>, vector<1024x64xf32>,
    return
  }
  func.func @transform_0(%arg0: i32) -> (i32, i32) {
    %c0_i32 = arith.constant 0 : i32
    %c0_i32_0 = arith.constant 0 : i32
    return %arg0, %c0_i32 : i32, i32
  }
  func.func @transform_1(%arg0: i32) -> (i32, i32) {
    %c0_i32 = arith.constant 0 : i32
    %c0_i32_0 = arith.constant 0 : i32
    %c0_i32_1 = arith.constant 0 : i32
    return %c0_i32, %c0_i32_0 : i32, i32
  }
  func.func @transform_2(%arg0: i32) -> (i32, i32) {
    %c0_i32 = arith.constant 0 : i32
    %c0_i32_0 = arith.constant 0 : i32
    return %arg0, %c0_i32 : i32, i32
  }
}

module attributes {stable_mosaic.version = 14 : i64} {
  func.func @_stage_c_body(%arg0: i32, %arg1: memref<1024x512xbf16, #tpu.memory_space<vmem>>, %arg2: memref<1024x512xbf16, #tpu.memory_space<vmem>>, %arg3: memref<1024x64xf32, #tpu.memory_space<vmem>>, %arg4: memref<512x1024xf32, #tpu.memory_space<vmem>>, %arg5: memref<512x1024xf32, #tpu.memory_space<vmem>>, %arg6: memref<1024x1024xf32, #tpu.memory_space<vmem>>, %arg7: memref<1024x1024xf32, #tpu.memory_space<vmem>>) attributes {dimension_semantics = [#tpu.dimension_semantics<arbitrary>], iteration_bounds = array<i64: 2>, scalar_prefetch = 0 : i64, scratch_operands = 0 : i64, tpu.core_type = #tpu.core_type<tc>, window_params = [{transform_indices = @transform_0, window_bounds = array<i64: 1024, 512>}, {transform_indices = @transform_1, window_bounds = array<i64: 1024, 512>}, {transform_indices = @transform_2, window_bounds = array<i64: 1024, 64>}, {pipeline_mode = #tpu.pipeline_mode<synchronous>, transform_indices = @transform_3, window_bounds = array<i64: 512, 1024>}, {pipeline_mode = #tpu.pipeline_mode<synchronous>, transform_indices = @transform_4, window_bounds = array<i64: 512, 1024>}, {transform_indices = @transform_5, window_bounds = array<i64: 1024, 1024>}, {transform_indices = @transform_6, window_bounds = array<i64: 1024, 1024>}]} {
    %get3A = arith.constant 0 : index
    %get3A_0 = arith.constant 0 : index
    %get3A_1 = vector.load %arg3[%get3A, %get3A_0] : memref<1024x64xf32, #tpu.memory_space<vmem>>, vector<1024x64xf32>
    %iota3A = tpu.iota {dimensions = array<i32: 0>} : vector<64x512xi32>
    %iota3A_2 = tpu.iota {dimensions = array<i32: 1>} : vector<64x512xi32>
    %jit3A = arith.constant 8 : i32
    %div3A = vector.broadcast %jit3A : i32 to vector<64x512xi32>
    %div3A_3 = arith.divsi %iota3A_2, %div3A : vector<64x512xi32>
    %sign3A = arith.constant 0 : i32
    %sign3A_4 = vector.broadcast %sign3A : i32 to vector<64x512xi32>
    %sign3A_5 = arith.cmpi sgt, %iota3A_2, %sign3A_4 : vector<64x512xi32>
    %sign3A_6 = arith.extui %sign3A_5 : vector<64x512xi1> to vector<64x512xi32>
    %sign3A_7 = arith.constant 0 : i32
    %sign3A_8 = vector.broadcast %sign3A_7 : i32 to vector<64x512xi32>
    %sign3A_9 = arith.cmpi slt, %iota3A_2, %sign3A_8 : vector<64x512xi32>
    %sign3A_10 = arith.extui %sign3A_9 : vector<64x512xi1> to vector<64x512xi32>
    %sign3A_11 = arith.subi %sign3A_6, %sign3A_10 : vector<64x512xi32>
    %sign3A_12 = arith.constant 0 : i32
    %sign3A_13 = arith.cmpi sgt, %jit3A, %sign3A_12 : i32
    %sign3A_14 = arith.extui %sign3A_13 : i1 to i32
    %sign3A_15 = arith.constant 0 : i32
    %sign3A_16 = arith.cmpi slt, %jit3A, %sign3A_15 : i32
    %sign3A_17 = arith.extui %sign3A_16 : i1 to i32
    %sign3A_18 = arith.subi %sign3A_14, %sign3A_17 : i32
    %ne3A = vector.broadcast %sign3A_18 : i32 to vector<64x512xi32>
    %ne3A_19 = arith.cmpi ne, %sign3A_11, %ne3A : vector<64x512xi32>
    %rem3A = vector.broadcast %jit3A : i32 to vector<64x512xi32>
    %rem3A_20 = arith.remsi %iota3A_2, %rem3A : vector<64x512xi32>
    %ne3A_21 = arith.constant 0 : i32
    %ne3A_22 = vector.broadcast %ne3A_21 : i32 to vector<64x512xi32>
    %ne3A_23 = arith.cmpi ne, %rem3A_20, %ne3A_22 : vector<64x512xi32>
    %and3A = arith.andi %ne3A_19, %ne3A_23 : vector<64x512xi1>
    %sub3A = arith.constant 1 : i32
    %sub3A_24 = vector.broadcast %sub3A : i32 to vector<64x512xi32>
    %sub3A_25 = arith.subi %div3A_3, %sub3A_24 : vector<64x512xi32>
    %select_n3A = arith.select %and3A, %sub3A_25, %div3A_3 : vector<64x512xi1>, vector<64x512xi32>
    %eq3A = arith.cmpi eq, %iota3A, %select_n3A : vector<64x512xi32>
    %jit3A_26 = arith.constant 1.000000e+00 : f32
    %jit3A_27 = arith.constant 0.000000e+00 : f32
    %broadcast_in_dim3A = vector.broadcast %jit3A_26 : f32 to vector<64x512xf32>
    %broadcast_in_dim3A_28 = vector.broadcast %jit3A_27 : f32 to vector<64x512xf32>
    %select_n3A_29 = arith.select %eq3A, %broadcast_in_dim3A, %broadcast_in_dim3A_28 : vector<64x512xi1>, vector<64x512xf32>
    %convert_element_type3A = arith.truncf %select_n3A_29 : vector<64x512xf32> to vector<64x512xbf16>
    %convert_element_type3A_30 = arith.truncf %get3A_1 : vector<1024x64xf32> to vector<1024x64xbf16>
    %dot_general3A = arith.constant dense<0.000000e+00> : vector<1024x512xf32>
    %dot_general3A_31 = tpu.matmul %convert_element_type3A_30, %convert_element_type3A, %dot_general3A {dimension_numbers = #tpu.dot_dimension_numbers<[1], [0], [0], [1], [0, 0, 1, 1], [], []>, transpose_lhs_hint = false} : vector<1024x64xbf16>, vector<64x512xbf16>, vector<1024x512xf32> -> vector<1024x512xf32>
    %get3A_32 = arith.constant 0 : index
    %get3A_33 = arith.constant 0 : index
    %get3A_34 = vector.load %arg1[%get3A_32, %get3A_33] : memref<1024x512xbf16, #tpu.memory_space<vmem>>, vector<1024x512xbf16>
    %convert_element_type3A_35 = arith.extf %get3A_34 : vector<1024x512xbf16> to vector<1024x512xf32>
    %mul3A = arith.mulf %convert_element_type3A_35, %dot_general3A_31 : vector<1024x512xf32>
    %convert_element_type3A_36 = arith.truncf %mul3A : vector<1024x512xf32> to vector<1024x512xbf16>
    %get3A_37 = arith.constant 0 : index
    %get3A_38 = arith.constant 0 : index
    %get3A_39 = vector.load %arg4[%get3A_37, %get3A_38] : memref<512x1024xf32, #tpu.memory_space<vmem>>, vector<512x1024xf32>
    %convert_element_type3A_40 = arith.truncf %get3A_39 : vector<512x1024xf32> to vector<512x1024xbf16>
    %dot_general3A_41 = arith.constant dense<0.000000e+00> : vector<1024x1024xf32>
    %dot_general3A_42 = tpu.matmul %convert_element_type3A_36, %convert_element_type3A_40, %dot_general3A_41 {dimension_numbers = #tpu.dot_dimension_numbers<[1], [0], [0], [1], [0, 0, 1, 1], [], []>, transpose_lhs_hint = false} : vector<1024x512xbf16>, vector<512x1024xbf16>, vector<1024x1024xf32> -> vector<1024x1024xf32>
    %swap3A = arith.constant 0 : index
    %swap3A_43 = arith.constant 0 : index
    %swap3A_44 = vector.load %arg6[%swap3A, %swap3A_43] : memref<1024x1024xf32, #tpu.memory_space<vmem>>, vector<1024x1024xf32>
    tpu.vector_store %arg6[%swap3A, %swap3A_43], %dot_general3A_42 {strides = array<i32>} : memref<1024x1024xf32, #tpu.memory_space<vmem>>, vector<1024x1024xf32>,
    %get3A_45 = arith.constant 0 : index
    %get3A_46 = arith.constant 0 : index
    %get3A_47 = vector.load %arg2[%get3A_45, %get3A_46] : memref<1024x512xbf16, #tpu.memory_space<vmem>>, vector<1024x512xbf16>
    %convert_element_type3A_48 = arith.extf %get3A_47 : vector<1024x512xbf16> to vector<1024x512xf32>
    %mul3A_49 = arith.mulf %convert_element_type3A_48, %dot_general3A_31 : vector<1024x512xf32>
    %convert_element_type3A_50 = arith.truncf %mul3A_49 : vector<1024x512xf32> to vector<1024x512xbf16>
    %get3A_51 = arith.constant 0 : index
    %get3A_52 = arith.constant 0 : index
    %get3A_53 = vector.load %arg5[%get3A_51, %get3A_52] : memref<512x1024xf32, #tpu.memory_space<vmem>>, vector<512x1024xf32>
    %convert_element_type3A_54 = arith.truncf %get3A_53 : vector<512x1024xf32> to vector<512x1024xbf16>
    %dot_general3A_55 = arith.constant dense<0.000000e+00> : vector<1024x1024xf32>
    %dot_general3A_56 = tpu.matmul %convert_element_type3A_50, %convert_element_type3A_54, %dot_general3A_55 {dimension_numbers = #tpu.dot_dimension_numbers<[1], [0], [0], [1], [0, 0, 1, 1], [], []>, transpose_lhs_hint = false} : vector<1024x512xbf16>, vector<512x1024xbf16>, vector<1024x1024xf32> -> vector<1024x1024xf32>
    %swap3A_57 = arith.constant 0 : index
    %swap3A_58 = arith.constant 0 : index
    %swap3A_59 = vector.load %arg7[%swap3A_57, %swap3A_58] : memref<1024x1024xf32, #tpu.memory_space<vmem>>, vector<1024x1024xf32>
    tpu.vector_store %arg7[%swap3A_57, %swap3A_58], %dot_general3A_56 {strides = array<i32>} : memref<1024x1024xf32, #tpu.memory_space<vmem>>, vector<1024x1024xf32>,
    return
  }
  func.func @transform_0(%arg0: i32) -> (i32, i32) {
    %c0_i32 = arith.constant 0 : i32
    %c0_i32_0 = arith.constant 0 : i32
    return %arg0, %c0_i32 : i32, i32
  }
  func.func @transform_1(%arg0: i32) -> (i32, i32) {
    %c0_i32 = arith.constant 0 : i32
    %c0_i32_0 = arith.constant 0 : i32
    return %arg0, %c0_i32 : i32, i32
  }
  func.func @transform_2(%arg0: i32) -> (i32, i32) {
    %c0_i32 = arith.constant 0 : i32
    %c0_i32_0 = arith.constant 0 : i32
    return %arg0, %c0_i32 : i32, i32
  }
  func.func @transform_3(%arg0: i32) -> (i32, i32) {
    %c0_i32 = arith.constant 0 : i32
    %c0_i32_0 = arith.constant 0 : i32
    %c0_i32_1 = arith.constant 0 : i32
    return %c0_i32, %c0_i32_0 : i32, i32
  }
  func.func @transform_4(%arg0: i32) -> (i32, i32) {
    %c0_i32 = arith.constant 0 : i32
    %c0_i32_0 = arith.constant 0 : i32
    %c0_i32_1 = arith.constant 0 : i32
    return %c0_i32, %c0_i32_0 : i32, i32
  }
  func.func @transform_5(%arg0: i32) -> (i32, i32) {
    %c0_i32 = arith.constant 0 : i32
    %c0_i32_0 = arith.constant 0 : i32
    return %arg0, %c0_i32 : i32, i32
  }
  func.func @transform_6(%arg0: i32) -> (i32, i32) {
    %c0_i32 = arith.constant 0 : i32
    %c0_i32_0 = arith.constant 0 : i32
    return %arg0, %c0_i32 : i32, i32
  }
}

</mosaic_0001>

<sc_bundles>
// kernel: kernel.6.cloned.1.call-start
scs
__scs_entry_jumppad:
0x0: {  	(pc) =	sbr.rel $0x88, $3  }
0x1: {  	(tag) =	ssettag $0x0;
	lr =	simm.s32 $0x1  }
0x2: {  	[smem:$0x3F9B] =	sst lr;
	_ =	strace $0xD0000000  }
0x3: {  	_ = 	snop  }
0x4: {  	_ = 	snop  }
0x5: {  	_ = 	snop  }
0x6: {  	_ = 	snop  }
0x7: {  	_ = 	snop  }
__scs_overlays_trampoline_lowered:
0x8: {  	[smem:$0x3FAA] =	sst s0  }
0x9: {  	[smem:$0x3FAB] =	sst s1  }
0xa: {  	[smem:$0x3FAC] =	sst s2  }
0xb: {  	[smem:$0x3FAD] =	sst s3  }
0xc: {  	[smem:$0x3FAE] =	sst s4  }
0xd: {  	[smem:$0x3FAF] =	sst s5  }
0xe: {  	[smem:$0x3FB0] =	sst s6  }
0xf: {  	[smem:$0x3FB1] =	sst s7  }
0x10: {  	[smem:$0x3FB2] =	sst s8  }
0x11: {  	[smem:$0x3FB3] =	sst s9;
	s0 =	simm.s32 @!p0 $0x0  }
0x12: {  	s1 =	sld [smem:$0x3F99];
	s0 =	simm.s32 @p0 $0x1  }
0x13: {  	[smem:$0x3FB4] =	sst s0;
	s0 =	simm.s32 @!p1 $0x0  }
0x14: {  	s2 =	sld [smem:$0x3F98];
	s0 =	simm.s32 @p1 $0x1  }
0x15: {  	[smem:$0x3FB5] =	sst s0;
	s0 =	simm.s32 @!p2 $0x0  }
0x16: {  	s3 =	sld [smem:$0x3FDB];
	s0 =	simm.s32 @p2 $0x1  }
0x17: {  	s4 =	simm.s32 $0x1BF5;
	[smem:$0x3FB7] =	sst s0  }
0x18: {  	s0 =	sld [smem:$0x3F9A];
	_ =	swait.ge [sflag:s4], $0x0  }
0x19: {  	s7 =	sld [smem:$0x3F9B]  }
0x1a: {  	s8 =	sadd.s32 $0xFFFFE003, lr  }
0x1b: {  	s9 =	sadd.s32 $0xFFFFFEF7, lr;
	s5 =	simm.s32 $0xFFFFFFFF;
	p2 =	slt.u32 s8, $0xFFFFF086  }
0x1c: {  	p1 =	slt.u32 s9, $0xF7A;
	s5 =	simm.s32 @!p2 $0x0  }
0x1d: {  	s5 =	simm.s32 @p1 $0x1;
	p0 =	seq.s32 s7, s2  }
0x1e: {  	s7 =	smul.u32 @!p0 $0xF7A, s2;
	p2 =	seq.s32 @!p0 s5, $0x0  }
0x1f: {  	s9 =	smul.u32 $0xF7A, s1;
	s8 =	simm.s32 @!p0 $0x1BF5;
	p2 =	por !p2, p0  }
0x20: {  	[sflag:s8] =	ssyncset.s32 @!p0 $0xFFFFF086;
	s6 =	sadd.s32 @!p0 s3, s7;
	s7 =	simm.s32 @!p0 $0x108  }
0x21: {  	s3 =	sadd.s32 s3, s9;
	s6 =	sadd.s32 @!p0 $0x88, s6;
	s7 =	simm.s32 @p2 $0x1082  }
0x22: {  	[simem:s7], [sflag:s8] =	dma.local @!p0 [hbm:s6], $0xF7A  }
0x23: {  	s9 =	sor.u32 $0xD0000000, s2;
	s6 =	simm.s32 $0x108;
	_ =	swait.ge @!p0 [sflag:s8], $0x0  }
0x24: {  	s3 =	sadd.s32 $0x88, s3;
	s6 =	simm.s32 @!p1 $0x1082;
	[sflag:s4] =	ssyncset.s32 $0xFFFFF086  }
0x25: {  	[simem:s6], [sflag:s4] =	dma.local [hbm:s3], $0xF7A  }
0x26: {  	[smem:$0x3F9B] =	sst s1;
	(tag) =	ssettag s2;
	_ =	strace s9  }
0x27: {  	s1 =	sld [smem:$0x3FAB]  }
0x28: {  	s2 =	sld [smem:$0x3FAC]  }
0x29: {  	s4 =	sld [smem:$0x3FAE]  }
0x2a: {  	p0 =	seq.s32 s5, $0x0;
	s5 =	sld [smem:$0x3FAF]  }
0x2b: {  	s6 =	sld [smem:$0x3FB0]  }
0x2c: {  	s7 =	sld [smem:$0x3FB1]  }
0x2d: {  	s3 =	simm.s32 $0x108;
	s8 =	sld [smem:$0x3FB2]  }
0x2e: {  	s3 =	simm.s32 @!p0 $0x1082;
	s9 =	sld [smem:$0x3FB3]  }
0x2f: {  	lr =	sadd.s32 s0, s3;
	s0 =	sld [smem:$0x3FAA]  }
0x30: {  	s3 =	sld [smem:$0x3FAD]  }
0x31: {  	[smem:$0x3FB6] =	sst s10  }
0x32: {  	s10 =	sld [smem:$0x3FB4];
	_ =	sdelay $0x3  }
0x33: {  	p0 =	seq.s32 s10, $0x1;
	s10 =	sld [smem:$0x3FB6];
	_ =	sdelay $0x3  }
0x34: {  	[smem:$0x3FB6] =	sst s10  }
0x35: {  	s10 =	sld [smem:$0x3FB5];
	_ =	sdelay $0x3  }
0x36: {  	p1 =	seq.s32 s10, $0x1;
	s10 =	sld [smem:$0x3FB6];
	_ =	sdelay $0x3  }
0x37: {  	[smem:$0x3FB6] =	sst s10  }
0x38: {  	s10 =	sld [smem:$0x3FB7]  }
0x39: {  	_ = 	snop;
	(pc) =	sbr.ind lr, $3  }
0x3a: {  	_ = 	snop  }
0x3b: {  	_ = 	snop  }
0x3c: {  	p2 =	seq.s32 s10, $0x1;
	s10 =	sld [smem:$0x3FB6]  }
0x3d: {  	_ =	shalt  }
0x3e: {  	_ =	shalt  }
0x3f: {  	_ =	shalt  }
0x40: {  	_ =	shalt  }
0x41: {  	_ =	shalt  }
0x42: {  	_ =	shalt  }
0x43: {  	_ =	shalt  }
0x44: {  	_ =	shalt  }
0x45: {  	_ =	shalt  }
0x46: {  	_ =	shalt  }
0x47: {  	_ =	shalt  }
0x48: {  	_ =	shalt  }
0x49: {  	_ =	shalt  }
0x4a: {  	_ =	shalt  }
0x4b: {  	_ =	shalt  }
0x4c: {  	_ =	shalt  }
0x4d: {  	_ =	shalt  }
0x4e: {  	_ =	shalt  }
0x4f: {  	_ =	shalt  }
0x50: {  	_ =	shalt  }
0x51: {  	_ =	shalt  }
0x52: {  	_ =	shalt  }
0x53: {  	_ =	shalt  }
0x54: {  	_ =	shalt  }
0x55: {  	_ =	shalt  }
0x56: {  	_ =	shalt  }
0x57: {  	_ =	shalt  }
0x58: {  	_ =	shalt  }
0x59: {  	_ =	shalt  }
0x5a: {  	_ =	shalt  }
0x5b: {  	_ =	shalt  }
0x5c: {  	_ =	shalt  }
0x5d: {  	_ =	shalt  }
0x5e: {  	_ =	shalt  }
0x5f: {  	_ =	shalt  }
0x60: {  	_ =	shalt  }
0x61: {  	_ =	shalt  }
0x62: {  	_ =	shalt  }
0x63: {  	_ =	shalt  }
0x64: {  	_ =	shalt  }
0x65: {  	_ =	shalt  }
0x66: {  	_ =	shalt  }
0x67: {  	_ =	shalt  }
0x68: {  	_ =	shalt  }
0x69: {  	_ =	shalt  }
0x6a: {  	_ =	shalt  }
0x6b: {  	_ =	shalt  }
0x6c: {  	_ =	shalt  }
0x6d: {  	_ =	shalt  }
0x6e: {  	_ =	shalt  }
0x6f: {  	_ =	shalt  }
0x70: {  	_ =	shalt  }
0x71: {  	_ =	shalt  }
0x72: {  	_ =	shalt  }
0x73: {  	_ =	shalt  }
0x74: {  	_ =	shalt  }
0x75: {  	_ =	shalt  }
0x76: {  	_ =	shalt  }
0x77: {  	_ =	shalt  }
0x78: {  	_ =	shalt  }
0x79: {  	_ =	shalt  }
0x7a: {  	_ =	shalt  }
0x7b: {  	_ =	shalt  }
0x7c: {  	_ =	shalt  }
0x7d: {  	_ =	shalt  }
0x7e: {  	_ =	shalt  }
0x7f: {  	_ =	shalt  }
0x80: {  	_ =	shalt  }
0x81: {  	_ =	shalt  }
0x82: {  	_ =	shalt  }
0x83: {  	_ =	shalt  }
0x84: {  	_ =	shalt  }
0x85: {  	_ =	shalt  }
0x86: {  	_ =	shalt  }
0x87: {  	_ =	shalt  }
.Lfunc_end0:
.L_simem_size_0:
called_computation_lowered:
.L_overlay_start_0:
0x88: {  	s2 =	sld [smem:$0x3FD9]  }
0x89: {  	s3 =	sld [smem:$0x3FFE];
	_ =	sdelay $0x1  }
0x8a: {  	s1 =	srdreg.scid  }
0x8b: {  	s0 =	sand.u32 $0x1, s1  }
0x8c: {  	s15 =	sshll.u32 s0, $0xA;
	s2 =	sadd.s32 s3, s2  }
0x8d: {  	s2 =	sadd.s32 s2, s15  }
0x8e: {  	[smem:$0x3FC2] =	sst s2  }
0x8f: {  	_ = 	snop  }
0x90: {  	s2 =	sld [smem:$0x3FD0];
	_ =	sdelay $0x2  }
0x91: {  	s16 =	simm.s32 $0xA;
	s4 =	simm.s32 $0x10  }
0x92: {  	[smem:s4], [sflag:s16] =	dma.local [hbm:s2], $0x1  }
0x93: {  	_ =	swait.eq [sflag:s16], $0x1  }
0x94: {  	[sflag:s16] =	ssyncset.done $0x0  }
0x95: {  	s17 =	sld [smem:$0x10];
	[sflag:s16] =	ssyncadd.s32 $0xFFFFFFFF  }
0x96: {  	s18 =	sld [smem:$0x11];
	(tm) =	ssettm $0x1  }
0x97: {  	s19 =	sld [smem:$0x3FFB];
	_ =	sdelay $0x3  }
0x98: {  	_ =	strace s19  }
0x99: {  	s4 =	sld [smem:$0x3FFC];
	_ =	sdelay $0x3  }
0x9a: {  	_ =	strace s4  }
0x9b: {  	s4 =	sld [smem:$0x3FFD];
	_ =	sdelay $0x3  }
0x9c: {  	_ =	strace s4  }
0x9d: {  	_ =	strace $0x8FFFFFFF  }
0x9e: {  	s20 =	sld [smem:$0x3FDB];
	_ =	sdelay $0x1  }
0x9f: {  	s5 =	simm.s32 $_scs_section_size  }
0xa0: {  	s6 =	simm.s32 $_size__tile_overlayer_lowered;
	s7 =	simm.s32 $_tile_overlayer_lowered  }
0xa1: {  	s23 =	simm.s32 $0x1BFF;
	s22 =	sshll.u32 s7, $0x1;
	s4 =	sadd.s32 s5, s20  }
0xa2: {  	s8 =	simm.s32 $0x0;
	s21 =	sshll.u32 s6, $0x1;
	s6 =	sadd.s32 s22, s4  }
0xa3: {  	[timem:s8], [sflag:s23] =	dma.local [hbm:s6], s21  }
0xa4: {  	_ =	swait.ge [sflag:s23], s21  }
0xa5: {  	s5 =	ssub.s32 $0x0, s21;
	[sflag:s23] =	ssyncset.done $0x0  }
0xa6: {  	[sflag:s23] =	ssyncadd.s32 s5;
	_ =	sdelay $0x1  }
0xa7: {  	s24 =	simm.s32 $0x1B8B  }
0xa8: {  	_ =	swait.ge [sflag:s24], $0x1  }
0xa9: {  	[sflag:s24] =	ssyncset.done $0x0  }
0xaa: {  	s25 =	simm.s32 $0x1B8E;
	[sflag:s24] =	ssyncadd.s32 $0xFFFFFFFF  }
0xab: {  	s26 =	simm.s32 $execute0_lowered;
	[smem:$0x3FD2] =	sst s25  }
0xac: {  	s5 =	sshll.u32 s26, $0x1;
	_ =	strace $0x80000046;
	[dreg:$0x1] =	wrdreg $0xFFFFFFFF  }
0xad: {  	s28 =	simm.s32 $_size_execute0_lowered;
	s4 =	sadd.s32 s4, s5;
	[dreg:$0x0] =	wrdreg $0x0  }
0xae: {  	s5 =	sshll.u32 s28, $0x1;
	[dreg:$0x2] =	wrdreg s4  }
0xaf: {  	[dreg:$0x3] =	wrdreg s5  }
0xb0: {  	[dreg:$0x4] =	wrdreg $0xC0  }
0xb1: {  	_ =	task [dreg:s8], $0x5FFFF  }
0xb2: {  	[dreg:$0x1] =	wrdreg $0xFFFFFFFF  }
0xb3: {  	[dreg:$0x0] =	wrdreg $0x60  }
0xb4: {  	[dreg:$0x2] =	wrdreg s18  }
0xb5: {  	[dreg:$0x3] =	wrdreg s17  }
0xb6: {  	[dreg:$0x4] =	wrdreg $0x9  }
0xb7: {  	_ =	task.clear_ibuf [dreg:s8], $0x5FFFF;
	_ =	strace $0x90000046  }
0xb8: {  	s29 =	simm.s32 $0x9;
	_ =	strace $0x80000048  }
0xb9: {  	_ =	swait.ge [sflag:s29], $0x1  }
0xba: {  	[sflag:s29] =	ssyncadd.s32 $0xFFFFFFFF  }
0xbb: {  	_ =	strace $0x90000048  }
0xbc: {  	_ =	sfence  }
0xbd: {  	s30 =	sld [smem:$0x0];
	_ =	sdelay $0x2  }
0xbe: {  	s31 =	sshll.u32 s1, $0xD;
	s1 =	sshrl.u32 s1, $0x2  }
0xbf: {  	s3 =	sand.u32 $0x4000, s31;
	s1 =	sadd.s32 s1, s30  }
0xc0: {  	s0 =	sor.u32 s3, s0;
	s1 =	sshll.u32 s1, $0x11  }
0xc1: {  	s0 =	sor.u32 s1, s0  }
0xc2: {  	s0 =	sadd.s32 $0x8F2B, s0  }
0xc3: {  	[sflag:s0] =	ssyncadd.remote.s32 $0x1  }
0xc4: {  	_ =	sfence.sel $0xFFFF  }
0xc5: {  	[dreg:$0x0] =	wrdreg $0xFFFFFFFF;
	(pc) =	sbr.abs _section_cstart, $3  }
0xc6: {  	[dreg:$0x1] =	wrdreg $0xFFFFFFFF  }
0xc7: {  	_ =	task.clear_ibuf [dreg:s8], $0x2FFFF;
	_ =	strace $0x9FFFFFFF  }
0xc8: {  	(tm) =	ssettm $0x7FFFFFFF  }
0xc9: {  	_ =	shalt  }
tec
execute0_lowered:
.L_overlay_start_1:
0x0: {  	(tag) =	ssettag $0x1  }
0x1: {  	v0 =	vimm.s32 $0xFEDCBA98;
	v1 =	vimm.s32 $0x76543210  }
0x2: {  	v2 =	vimm.s32 $0x3210FEDC;
	v3 =	vimm.s32 $0xBA987654;
	v4 =	vimm.s32 $0x10FEDCBA  }
0x3: {  	v5 =	vimm.s32 $0x98765432;
	v6 =	vimm.s32 $0xFEDCBA9;
	v7 =	vimm.s32 $0x87654321  }
0x4: {  	v0 =	vunpack.c.l.s4.s8 v0;
	v1 =	vunpack.c.l.s4.s8 v1;
	v2 =	vunpack.c.l.s4.s8 v2  }
0x5: {  	v3 =	vunpack.c.l.s4.s8 v3;
	v4 =	vunpack.c.l.s4.s8 v4;
	v5 =	vunpack.c.l.s4.s8 v5  }
0x6: {  	s3 =	rddreg [dreg:$0x0];
	v6 =	vunpack.c.l.s4.s8 v6;
	v7 =	vunpack.c.l.s4.s8 v7;
	v0 =	vunpack.c.0.s8.s32 v0  }
0x7: {  	s4 =	rddreg [dreg:$0x1];
	s2 =	srdreg.scid;
	v2 =	vunpack.c.0.s8.s32 v2;
	v3 =	vunpack.c.0.s8.s32 v3;
	v4 =	vunpack.c.0.s8.s32 v4  }
0x8: {  	s0 =	rddreg [dreg:$0x2];
	s1 =	simm.s32 $0x0;
	s5 =	sand.u32 $0x1, s2;
	v5 =	vunpack.c.0.s8.s32 v5;
	v6 =	vunpack.c.0.s8.s32 v6;
	v7 =	vunpack.c.0.s8.s32 v7  }
0x9: {  	[smem:$0x7FF] =	sst s1;
	s2 =	stileid.u32;
	s6 =	ssub.s32 $0x2, s5;
	v1 =	vunpack.c.0.s8.s32 v1;
	v2 =	vcombine.low v3, v2  }
0xa: {  	s8 =	sshll.u32 s2, $0xB;
	s5 =	sshll.u32 s5, $0xA;
	_ =	strace $0x80000047;
	v0 =	vand.u32 $0xF, v0;
	v3 =	vcombine.low v5, v4;
	v4 =	vcombine.low v7, v6  }
0xb: {  	s7 =	sshrl.u32 s6, $0x1;
	s5 =	sor.u32 s5, s8;
	s8 =	simm.s32 $0x0;
	v0 =	vcombine.low v0, v1;
	v1 =	vand.u32 $0xF, v2  }
0xc: {  	s6 =	ssub.s32 s6, s7;
	s3 =	sadd.s32 s3, s5;
	s4 =	sadd.s32 s4, s5;
	v2 =	vand.u32 $0xF, v3;
	v3 =	vand.u32 $0xF, v4;
	v4 =	vlaneseq.u32  }
0xd: {  	s7 =	simm.s32 $0x2000;
	s5 =	smax.u32 s6, $0x1;
	s6 =	simm.s32 $0x1;
	v5 =	vor.u32 $0x30, v4;
	v6 =	vor.u32 $0x20, v4;
	v7 =	vor.u32 $0x10, v4  }
.LBB2_1:
0xe: {  	[tilespmem:s1], [sflag:$0x1] =	stream.linear.gather [hbm4b:s3+s1], $0x2000, $0x38;
	[tilespmem:$0x4000] =	vst v63  }
0xf: {  	_ =	swait.ge [sflag:s6], $0x2000  }
0x10: {  	[sflag:s6] =	ssyncset.done $0x0  }
0x11: {  	s9 =	simm.s32 $0x0;
	[sflag:s6] =	ssyncadd.s32 $0xFFFFE000  }
0x12: {  	v8 =	vld [tilespmem:s9+$0x0]  }
0x13: {  	v9 =	vld [tilespmem:s9+$0x10]  }
0x14: {  	v10 =	vld [tilespmem:s9+$0x20]  }
0x15: {  	v11 =	vld [tilespmem:s9+$0x30];
	_ =	sdelay $0x4  }
0x16: {  	v12 =	vmax.f32 v8, v9;
	v13 =	vmax.f32 v10, v11  }
0x17: {  	v12 =	vmax.f32 v12, v13  }
0x18: {  	v13 =	vperm.xlane v12, v0;
	_ =	sdelay $0x1  }
0x19: {  	v12 =	vmax.f32 v12, v13  }
0x1a: {  	v13 =	vperm.xlane v12, v1;
	_ =	sdelay $0x1  }
0x1b: {  	v12 =	vmax.f32 v12, v13  }
0x1c: {  	v13 =	vperm.xlane v12, v2;
	_ =	sdelay $0x1  }
0x1d: {  	v12 =	vmax.f32 v12, v13  }
0x1e: {  	v13 =	vperm.xlane v12, v3;
	_ =	sdelay $0x1  }
0x1f: {  	v12 =	vmax.f32 v12, v13  }
0x20: {  	vm0 =	veq.f32 v11, v12  }
0x21: {  	vm1 =	veq.f32 v10, v12;
	v13 =	vnsel vm0, $0x2710, v5  }
0x22: {  	vm0 =	veq.f32 v9, v12;
	v13 =	vsel vm1, v6, v13  }
0x23: {  	vm1 =	veq.f32 v8, v12;
	v13 =	vsel vm0, v7, v13  }
0x24: {  	s10 =	simm.s32 $0x80;
	v13 =	vsel vm1, v4, v13  }
0x25: {  	v14 =	vld [tilespmem:s10+$0x0];
	v15 =	vperm.xlane v13, v0  }
0x26: {  	v16 =	vld [tilespmem:s10+$0x10]  }
0x27: {  	v17 =	vld [tilespmem:s10+$0x20];
	vm0 =	vlt.s32 v13, v15  }
0x28: {  	v18 =	vld [tilespmem:s10+$0x30];
	v13 =	vsel vm0, v13, v15  }
0x29: {  	v15 =	vperm.xlane v13, v1;
	_ =	sdelay $0x1  }
0x2a: {  	vm0 =	vlt.s32 v13, v15  }
0x2b: {  	v13 =	vsel vm0, v13, v15  }
0x2c: {  	v19 =	vmax.f32 v17, v18;
	v15 =	vmax.f32 v14, v16;
	v20 =	vperm.xlane v13, v2  }
0x2d: {  	v15 =	vmax.f32 v15, v19  }
0x2e: {  	v19 =	vperm.xlane v15, v0;
	vm0 =	vlt.s32 v13, v20  }
0x2f: {  	v13 =	vsel vm0, v13, v20  }
0x30: {  	v15 =	vmax.f32 v15, v19;
	v19 =	vperm.xlane v13, v3  }
0x31: {  	v20 =	vperm.xlane v15, v1  }
0x32: {  	vm0 =	vlt.s32 v13, v19  }
0x33: {  	v15 =	vmax.f32 v15, v20;
	v13 =	vsel vm0, v13, v19  }
0x34: {  	v19 =	vperm.xlane v15, v2;
	vm0 =	veq.s32 v13, v4;
	vm1 =	veq.s32 v13, v7  }
0x35: {  	vm3 =	veq.s32 v13, v6;
	vm2 =	veq.s32 v13, v5;
	v20 =	vsel vm0, $0xFF61B1E6, v8  }
0x36: {  	v13 =	vsel vm1, $0xFF61B1E6, v9;
	v21 =	vsel vm3, $0xFF61B1E6, v10;
	v22 =	vsel vm2, $0xFF61B1E6, v11  }
0x37: {  	v10 =	vmax.f32 v15, v19;
	v8 =	vmax.f32 v20, v13;
	v9 =	vmax.f32 v21, v22  }
0x38: {  	v8 =	vmax.f32 v8, v9;
	v9 =	vperm.xlane v10, v3  }
0x39: {  	v11 =	vperm.xlane v8, v0  }
0x3a: {  	v25 =	vmax.f32 v10, v9  }
0x3b: {  	v8 =	vmax.f32 v8, v11;
	vm4 =	veq.f32 v18, v25  }
0x3c: {  	vm5 =	veq.f32 v17, v25;
	v9 =	vperm.xlane v8, v1;
	v10 =	vnsel vm4, $0x2710, v5  }
0x3d: {  	vm4 =	veq.f32 v16, v25;
	v10 =	vsel vm5, v6, v10  }
0x3e: {  	vm5 =	veq.f32 v14, v25;
	v8 =	vmax.f32 v8, v9;
	v9 =	vsel vm4, v7, v10  }
0x3f: {  	s11 =	simm.s32 $0x100;
	v10 =	vperm.xlane v8, v2;
	v15 =	vsel vm5, v4, v9  }
0x40: {  	v11 =	vld [tilespmem:s11+$0x30];
	v23 =	vperm.xlane v15, v0  }
0x41: {  	v9 =	vld [tilespmem:s11+$0x0];
	v19 =	vmax.f32 v8, v10  }
0x42: {  	v8 =	vld [tilespmem:s11+$0x10];
	v24 =	vperm.xlane v19, v3;
	vm4 =	vlt.s32 v15, v23  }
0x43: {  	v10 =	vld [tilespmem:s11+$0x20];
	v15 =	vsel vm4, v15, v23  }
0x44: {  	v19 =	vmax.f32 v19, v24;
	v23 =	vperm.xlane v15, v1  }
0x45: {  	v12 =	vsub.f32 v19, v12  }
0x46: {  	vm4 =	vlt.s32 v15, v23  }
0x47: {  	vm7 =	vmmov vm2;
	v12 =	vmul.f32 $1.442695020e+00, v12;
	v15 =	vsel vm4, v15, v23  }
0x48: {  	v24 =	vmax.f32 v9, v8;
	v26 =	vmax.f32 v10, v11;
	v23 =	vperm.xlane v15, v2  }
0x49: {  	vm5 =	vmmov vm0;
	(erf) = vpow2.f32 v12;
	v12 =	vmax.f32 v24, v26  }
0x4a: {  	vm2 =	veq.f32 v22, v19;
	v24 =	vperm.xlane v12, v0;
	vm4 =	vlt.s32 v15, v23  }
0x4b: {  	vm0 =	veq.f32 v21, v19;
	v21 =	vnsel vm2, $0x2710, v5;
	v15 =	vsel vm4, v15, v23  }
0x4c: {  	vm4 =	vmmov vm1;
	v12 =	vmax.f32 v12, v24;
	v22 =	vperm.xlane v15, v3  }
0x4d: {  	vm1 =	veq.f32 v13, v19;
	v13 =	vsel vm0, v6, v21;
	v23 =	vperm.xlane v12, v1  }
0x4e: {  	vm2 =	veq.f32 v20, v19;
	v13 =	vsel vm1, v7, v13;
	vm0 =	vlt.s32 v15, v22  }
0x4f: {  	v19 =	vsel vm2, v4, v13;
	v12 =	vmax.f32 v12, v23;
	v15 =	vsel vm0, v15, v22  }
0x50: {  	v21 =	vperm.xlane v19, v0;
	v20 =	vperm.xlane v12, v2;
	vm1 =	veq.s32 v15, v4  }
0x51: {  	vm2 =	veq.s32 v15, v7;
	vm0 =	veq.s32 v15, v6;
	vm8 =	veq.s32 v15, v5  }
0x52: {  	vm6 =	vlt.s32 v19, v21;
	v13 =	vsel vm1, $0xFF61B1E6, v14;
	v14 =	vsel vm2, $0xFF61B1E6, v16  }
0x53: {  	v19 =	vsel vm6, v19, v21;
	v15 =	vsel vm0, $0xFF61B1E6, v17;
	v16 =	vsel vm8, $0xFF61B1E6, v18  }
0x54: {  	v22 =	vpop (erf);
	v12 =	vmax.f32 v12, v20;
	v18 =	vmax.f32 v13, v14;
	v20 =	vmax.f32 v15, v16  }
0x55: {  	v17 =	vperm.xlane v19, v1;
	v23 =	vadd.f32 $1.000000000e+00, v22;
	v18 =	vmax.f32 v18, v20  }
0x56: {  	v20 =	vperm.xlane v18, v0  }
0x57: {  	v21 =	vperm.xlane v12, v3;
	vm9 =	vlt.s32 v19, v17;
	(erf) = vrcp.f32 v23  }
0x58: {  	v17 =	vsel vm9, v19, v17;
	v18 =	vmax.f32 v18, v20  }
0x59: {  	v12 =	vmax.f32 v12, v21;
	v19 =	vperm.xlane v17, v2;
	v20 =	vperm.xlane v18, v1  }
0x5a: {  	vm7 =	vmmov vm7;
	vm6 =	vmmov vm3;
	vm10 =	veq.f32 v11, v12  }
0x5b: {  	vm12 =	veq.f32 v10, v12;
	vm11 =	vlt.s32 v17, v19;
	v20 =	vmax.f32 v18, v20  }
0x5c: {  	v21 =	vnsel vm10, $0x2710, v5;
	v17 =	vsel vm11, v17, v19;
	v23 =	vperm.xlane v20, v2  }
0x5d: {  	vm3 =	veq.f32 v8, v12;
	v19 =	vsel vm12, v6, v21;
	v21 =	vperm.xlane v17, v3  }
0x5e: {  	vm9 =	veq.f32 v9, v12;
	v19 =	vsel vm3, v7, v19;
	v20 =	vmax.f32 v20, v23  }
0x5f: {  	s12 =	simm.s32 $0x180;
	v26 =	vsel vm9, v4, v19;
	vm13 =	vlt.s32 v17, v21;
	v24 =	vperm.xlane v20, v3  }
0x60: {  	vm3 =	vmmov vm8;
	v19 =	vld [tilespmem:s12+$0x10];
	v27 =	vperm.xlane v26, v0;
	v17 =	vsel vm13, v17, v21;
	v18 =	vpop (erf)  }
0x61: {  	v23 =	vld [tilespmem:s12+$0x30];
	vm8 =	veq.s32 v17, v5;
	v29 =	vadd.f32 v18, v18;
	v24 =	vmax.f32 v20, v24  }
0x62: {  	vm14 =	veq.s32 v17, v4;
	vm15 =	veq.s32 v17, v6;
	v18 =	vld [tilespmem:s12+$0x0];
	v25 =	vsub.f32 v24, v25  }
0x63: {  	v21 =	vmul.f32 v29, v22;
	v22 =	vld [tilespmem:s12+$0x20];
	v28 =	vnsel vm7, $0x0, v29;
	vm7 =	vlt.s32 v26, v27  }
0x64: {  	v32 =	vnsel vm5, $0x0, v29;
	v26 =	vsel vm7, v26, v27;
	vm7 =	veq.s32 v17, v7  }
0x65: {  	v17 =	vmul.f32 $1.442695020e+00, v25;
	v30 =	vnsel vm8, $0x0, v21;
	v27 =	vperm.xlane v26, v1  }
0x66: {  	v31 =	vnsel vm15, $0x0, v21;
	v20 =	vadd.f32 v30, v28;
	v28 =	vnsel vm14, $0x0, v21  }
0x67: {  	v30 =	vnsel vm7, $0x0, v21;
	v21 =	vmax.f32 v18, v19;
	vm7 =	vlt.s32 v26, v27  }
0x68: {  	(erf) = vpow2.f32 v17;
	v25 =	vsel vm7, v26, v27;
	v26 =	vmax.f32 v22, v23  }
0x69: {  	v17 =	vnsel vm4, $0x0, v29;
	v27 =	vmax.f32 v21, v26;
	v26 =	vperm.xlane v25, v2  }
0x6a: {  	v29 =	vnsel vm6, $0x0, v29;
	v21 =	vadd.f32 v28, v32;
	v28 =	vperm.xlane v27, v0  }
0x6b: {  	s13 =	simm.s32 $0x800;
	[tilespmem:s9+$0x2030] =	vst v20;
	v20 =	vadd.f32 v30, v17;
	v17 =	vadd.f32 v31, v29;
	vm4 =	vlt.s32 v25, v26  }
.LBB2_2:
0x6c: {  	v27 =	vmax.f32 v27, v28;
	v25 =	vsel vm4, v25, v26;
	vm7 =	veq.f32 v16, v24  }
0x6d: {  	p0 =	sne.s32 s13, $0x7E00;
	[tilespmem:s9+$0x2000] =	vst v21;
	vm6 =	vmmov vm1;
	vm5 =	vmmov vm2;
	vm4 =	vmmov vm0  }
0x6e: {  	vm0 =	veq.f32 v15, v24;
	v16 =	vperm.xlane v25, v3;
	v15 =	vnsel vm7, $0x2710, v5;
	[tilespmem:s9+$0x2010] =	vst v20  }
0x6f: {  	vm1 =	veq.f32 v14, v24;
	v20 =	vperm.xlane v27, v1;
	v14 =	vsel vm0, v6, v15;
	[tilespmem:s9+$0x2020] =	vst v17;
	s9 =	smov.u32 s10;
	s10 =	smov.u32 s11;
	s11 =	smov.u32 s12  }
0x70: {  	vm2 =	veq.f32 v13, v24;
	vm0 =	vlt.s32 v25, v16;
	v13 =	vsel vm1, v7, v14  }
0x71: {  	v17 =	vmax.f32 v27, v20;
	v14 =	vsel vm0, v25, v16;
	v15 =	vsel vm2, v4, v13  }
0x72: {  	v20 =	vperm.xlane v17, v2;
	vm1 =	veq.s32 v14, v4;
	v16 =	vperm.xlane v15, v0;
	v21 =	vpop (erf)  }
0x73: {  	vm2 =	veq.s32 v14, v7;
	vm0 =	veq.s32 v14, v6;
	v24 =	vadd.f32 $1.000000000e+00, v21  }
0x74: {  	vm8 =	veq.s32 v14, v5;
	v13 =	vsel vm1, $0xFF61B1E6, v9;
	v9 =	vmovc v18;
	vm7 =	vlt.s32 v15, v16  }
0x75: {  	v14 =	vsel vm2, $0xFF61B1E6, v8;
	v8 =	vmovc v19;
	v18 =	vsel vm7, v15, v16;
	(erf) = vrcp.f32 v24  }
0x76: {  	v15 =	vsel vm0, $0xFF61B1E6, v10;
	v16 =	vsel vm8, $0xFF61B1E6, v11;
	v10 =	vmovc v22;
	v11 =	vmovc v23;
	v19 =	vperm.xlane v18, v1  }
0x77: {  	v17 =	vmax.f32 v17, v20;
	v20 =	vmax.f32 v13, v14;
	v22 =	vmax.f32 v15, v16  }
0x78: {  	v23 =	vperm.xlane v17, v3;
	v20 =	vmax.f32 v20, v22;
	vm7 =	vlt.s32 v18, v19  }
0x79: {  	v22 =	vperm.xlane v20, v0;
	v18 =	vsel vm7, v18, v19;
	vm7 =	vmmov vm3  }
0x7a: {  	v17 =	vmax.f32 v17, v23;
	vm3 =	vmmov vm8;
	v19 =	vperm.xlane v18, v2  }
0x7b: {  	vm9 =	veq.f32 v8, v17;
	vm8 =	veq.f32 v9, v17;
	v20 =	vmax.f32 v20, v22  }
0x7c: {  	vm10 =	veq.f32 v11, v17;
	v22 =	vperm.xlane v20, v1;
	vm11 =	vlt.s32 v18, v19  }
0x7d: {  	vm12 =	veq.f32 v10, v17;
	v24 =	vnsel vm10, $0x2710, v5;
	v19 =	vsel vm11, v18, v19  }
0x7e: {  	v18 =	vsel vm12, v6, v24;
	v20 =	vmax.f32 v20, v22;
	v22 =	vperm.xlane v19, v3;
	v23 =	vpop (erf)  }
0x7f: {  	v18 =	vsel vm9, v7, v18;
	v24 =	vperm.xlane v20, v2;
	v29 =	vadd.f32 v23, v23  }
0x80: {  	s12 =	sshra.s32 s13, $0x2;
	v25 =	vsel vm8, v4, v18;
	vm8 =	vlt.s32 v19, v22  }
0x81: {  	v20 =	vmax.f32 v20, v24;
	v18 =	vld [tilespmem:s12+$0x0];
	v26 =	vsel vm8, v19, v22;
	v21 =	vmul.f32 v29, v21  }
0x82: {  	v27 =	vperm.xlane v25, v0;
	v24 =	vperm.xlane v20, v3;
	v19 =	vld [tilespmem:s12+$0x10];
	vm8 =	veq.s32 v26, v5  }
0x83: {  	v28 =	vnsel vm7, $0x0, v29;
	vm9 =	veq.s32 v26, v4;
	v22 =	vld [tilespmem:s12+$0x20];
	v30 =	vnsel vm8, $0x0, v21  }
0x84: {  	vm7 =	vlt.s32 v25, v27;
	v24 =	vmax.f32 v20, v24;
	v23 =	vld [tilespmem:s12+$0x30];
	v20 =	vadd.f32 v30, v28  }
0x85: {  	v25 =	vsel vm7, v25, v27;
	vm7 =	veq.s32 v26, v7;
	v27 =	vsub.f32 v24, v12;
	v12 =	vmovc v17  }
0x86: {  	vm8 =	veq.s32 v26, v6;
	v17 =	vperm.xlane v25, v1;
	v30 =	vnsel vm9, $0x0, v21;
	[tilespmem:s9+$0x2030] =	vst v20  }
0x87: {  	v31 =	vnsel vm7, $0x0, v21;
	v32 =	vnsel vm8, $0x0, v21;
	v20 =	vmul.f32 $1.442695020e+00, v27  }
.Ltmp0:
0x88: {  	v33 =	vnsel vm6, $0x0, v29;
	vm7 =	vlt.s32 v25, v17;
	v21 =	vmax.f32 v18, v19;
	(pc) =	sbr.rel @p0 .LBB2_2-.Ltmp0, $4  }
0x89: {  	v25 =	vsel vm7, v25, v17;
	v26 =	vmax.f32 v22, v23;
	(erf) = vpow2.f32 v20  }
0x8a: {  	v17 =	vnsel vm5, $0x0, v29;
	v27 =	vmax.f32 v21, v26;
	v26 =	vperm.xlane v25, v2  }
0x8b: {  	v29 =	vnsel vm4, $0x0, v29;
	v21 =	vadd.f32 v30, v33;
	v28 =	vperm.xlane v27, v0  }
0x8c: {  	s13 =	sadd.s32 $0x200, s13;
	v20 =	vadd.f32 v31, v17;
	v17 =	vadd.f32 v32, v29;
	vm4 =	vlt.s32 v25, v26  }
0x8d: {  	v27 =	vmax.f32 v27, v28  }
0x8e: {  	v28 =	vperm.xlane v27, v1;
	_ =	sdelay $0x1  }
0x8f: {  	v27 =	vmax.f32 v27, v28  }
0x90: {  	v28 =	vperm.xlane v27, v2;
	_ =	sdelay $0x1  }
0x91: {  	v27 =	vmax.f32 v27, v28  }
0x92: {  	v28 =	vperm.xlane v27, v3;
	_ =	sdelay $0x1  }
0x93: {  	v27 =	vmax.f32 v27, v28  }
0x94: {  	vm5 =	veq.f32 v23, v27  }
0x95: {  	v25 =	vsel vm4, v25, v26;
	vm9 =	veq.f32 v22, v27;
	v63 =	vnsel vm5, $0x2710, v5  }
0x96: {  	v32 =	vperm.xlane v25, v3;
	vm10 =	veq.f32 v19, v27;
	v26 =	vsel vm9, v6, v63  }
0x97: {  	vm11 =	veq.f32 v18, v27;
	v26 =	vsel vm10, v7, v26  }
0x98: {  	vm12 =	vlt.s32 v25, v32;
	v26 =	vsel vm11, v4, v26  }
0x99: {  	v25 =	vsel vm12, v25, v32;
	v33 =	vperm.xlane v26, v0  }
0x9a: {  	vm8 =	veq.s32 v25, v7;
	vm6 =	veq.s32 v25, v6  }
0x9b: {  	v8 =	vsel vm8, $0xFF61B1E6, v8;
	v10 =	vsel vm6, $0xFF61B1E6, v10;
	vm4 =	vlt.s32 v26, v33  }
0x9c: {  	vm9 =	veq.s32 v25, v4;
	vm11 =	veq.s32 v25, v5;
	v34 =	vsel vm4, v26, v33  }
0x9d: {  	v9 =	vsel vm9, $0xFF61B1E6, v9;
	v11 =	vsel vm11, $0xFF61B1E6, v11;
	v26 =	vperm.xlane v34, v1  }
0x9e: {  	v35 =	vmax.f32 v9, v8;
	v29 =	vmax.f32 v10, v11  }
0x9f: {  	v36 =	vmax.f32 v35, v29;
	vm14 =	vlt.s32 v34, v26  }
0xa0: {  	vm13 =	veq.f32 v16, v24;
	v37 =	vperm.xlane v36, v0;
	v25 =	vsel vm14, v34, v26  }
0xa1: {  	vm7 =	veq.f32 v15, v24;
	vm15 =	veq.f32 v14, v24;
	v50 =	vpop (erf);
	v39 =	vperm.xlane v25, v2  }
0xa2: {  	v38 =	vnsel vm13, $0x2710, v5;
	v53 =	vadd.f32 $1.000000000e+00, v50;
	v40 =	vmax.f32 v36, v37  }
0xa3: {  	v16 =	vperm.xlane v40, v1;
	v26 =	vsel vm7, v6, v38;
	vm12 =	vlt.s32 v25, v39  }
0xa4: {  	vm10 =	veq.f32 v13, v24;
	v41 =	vsel vm15, v7, v26;
	v14 =	vsel vm12, v25, v39  }
0xa5: {  	v13 =	vmax.f32 v40, v16;
	v15 =	vsel vm10, v4, v41;
	v43 =	vperm.xlane v14, v3  }
0xa6: {  	v44 =	vperm.xlane v13, v2;
	v42 =	vperm.xlane v15, v0  }
0xa7: {  	(erf) = vrcp.f32 v53;
	vm14 =	vlt.s32 v14, v43  }
0xa8: {  	v13 =	vmax.f32 v13, v44;
	vm13 =	vlt.s32 v15, v42;
	v14 =	vsel vm14, v14, v43  }
0xa9: {  	v45 =	vperm.xlane v13, v3;
	vm7 =	veq.s32 v14, v4;
	vm5 =	veq.s32 v14, v7  }
0xaa: {  	vm4 =	veq.s32 v14, v6;
	vm10 =	veq.s32 v14, v5;
	v46 =	vsel vm7, $0xFF61B1E6, v18  }
0xab: {  	v47 =	vsel vm5, $0xFF61B1E6, v19;
	v48 =	vsel vm4, $0xFF61B1E6, v22;
	v49 =	vsel vm10, $0xFF61B1E6, v23  }
0xac: {  	v13 =	vmax.f32 v13, v45;
	v51 =	vmax.f32 v46, v47;
	v52 =	vmax.f32 v48, v49  }
0xad: {  	v15 =	vsel vm13, v15, v42;
	v12 =	vsub.f32 v13, v12;
	v54 =	vmax.f32 v51, v52  }
0xae: {  	v24 =	vperm.xlane v15, v1;
	v25 =	vperm.xlane v54, v0  }
0xaf: {  	v12 =	vmul.f32 $1.442695020e+00, v12  }
0xb0: {  	vm12 =	vlt.s32 v15, v24;
	v16 =	vmax.f32 v54, v25  }
0xb1: {  	v15 =	vsel vm12, v15, v24;
	(erf) = vpow2.f32 v12;
	v25 =	vperm.xlane v16, v1  }
0xb2: {  	vm13 =	veq.f32 v11, v13;
	v24 =	vperm.xlane v15, v2  }
0xb3: {  	vm15 =	veq.f32 v8, v13;
	v60 =	vnsel vm13, $0x2710, v5;
	v56 =	vmax.f32 v16, v25  }
0xb4: {  	vm13 =	veq.f32 v10, v13;
	vm12 =	vlt.s32 v15, v24;
	v58 =	vperm.xlane v56, v2  }
0xb5: {  	v55 =	vsel vm12, v15, v24;
	v15 =	vsel vm13, v6, v60;
	vm13 =	veq.f32 v9, v13  }
0xb6: {  	v62 =	vpop (erf);
	v57 =	vperm.xlane v55, v3;
	v8 =	vsel vm15, v7, v15;
	v59 =	vmax.f32 v56, v58  }
0xb7: {  	v11 =	vadd.f32 v62, v62;
	v8 =	vsel vm13, v4, v8;
	v61 =	vperm.xlane v59, v3  }
0xb8: {  	vm4 =	vmmov vm4;
	vm12 =	vlt.s32 v55, v57;
	v31 =	vperm.xlane v8, v0  }
0xb9: {  	v12 =	vsel vm12, v55, v57;
	vm12 =	vmmov vm1;
	v10 =	vmax.f32 v59, v61  }
0xba: {  	vm1 =	vmmov vm2;
	vm2 =	vmmov vm3;
	v63 =	vpop (erf);
	v26 =	vsub.f32 v10, v27  }
0xbb: {  	vm3 =	vmmov vm0;
	vm0 =	vmmov vm11;
	v28 =	vadd.f32 $1.000000000e+00, v63  }
0xbc: {  	vm14 =	veq.s32 v12, v5;
	v29 =	vnsel vm2, $0x0, v11;
	v13 =	vmul.f32 $1.442695020e+00, v26  }
0xbd: {  	vm15 =	veq.s32 v12, v4;
	vm13 =	veq.s32 v12, v7;
	(erf) = vrcp.f32 v28  }
0xbe: {  	v34 =	vnsel vm12, $0x0, v11;
	v36 =	vnsel vm1, $0x0, v11;
	(erf) = vpow2.f32 v13  }
0xbf: {  	vm1 =	vmmov vm9;
	v27 =	vmul.f32 v11, v50;
	vm11 =	veq.f32 v49, v10  }
0xc0: {  	vm12 =	veq.f32 v48, v10;
	v11 =	vnsel vm3, $0x0, v11;
	vm3 =	vmmov vm6  }
0xc1: {  	v37 =	vnsel vm11, $0x2710, v5;
	v30 =	vnsel vm14, $0x0, v27;
	v32 =	vnsel vm15, $0x0, v27  }
0xc2: {  	vm14 =	veq.s32 v12, v6;
	v33 =	vnsel vm13, $0x0, v27;
	vm15 =	vlt.s32 v8, v31  }
0xc3: {  	v38 =	vsel vm12, v6, v37;
	vm12 =	vmmov vm0;
	v8 =	vsel vm15, v8, v31  }
0xc4: {  	v15 =	vnsel vm14, $0x0, v27;
	vm14 =	veq.f32 v47, v10;
	v35 =	vperm.xlane v8, v1  }
0xc5: {  	vm0 =	vmmov vm10;
	vm15 =	veq.f32 v46, v10;
	v39 =	vsel vm14, v7, v38  }
0xc6: {  	vm10 =	vmmov vm7;
	v10 =	vsel vm15, v4, v39;
	vm13 =	vlt.s32 v8, v35;
	v40 =	vpop (erf)  }
0xc7: {  	v16 =	vadd.f32 v30, v29;
	v42 =	vperm.xlane v10, v0;
	v8 =	vsel vm13, v8, v35;
	v43 =	vpop (erf)  }
0xc8: {  	v12 =	vadd.f32 v33, v36;
	v41 =	vperm.xlane v8, v2;
	v44 =	vadd.f32 $1.000000000e+00, v43  }
0xc9: {  	vm0 =	vmmov vm0;
	v13 =	vadd.f32 v32, v34;
	vm11 =	vlt.s32 v10, v42  }
0xca: {  	v10 =	vsel vm11, v10, v42;
	vm2 =	vlt.s32 v8, v41;
	(erf) = vrcp.f32 v44  }
0xcb: {  	v14 =	vadd.f32 v40, v40;
	v45 =	vperm.xlane v10, v1;
	v8 =	vsel vm2, v8, v41  }
0xcc: {  	v11 =	vadd.f32 v15, v11;
	vm11 =	vmmov vm5;
	v18 =	vperm.xlane v8, v3  }
0xcd: {  	vm2 =	vmmov vm8;
	v9 =	vmul.f32 v14, v63;
	vm14 =	vlt.s32 v10, v45  }
0xce: {  	v46 =	vnsel vm12, $0x0, v14;
	v10 =	vsel vm14, v10, v45;
	vm13 =	vlt.s32 v8, v18  }
0xcf: {  	v50 =	vnsel vm1, $0x0, v14;
	v48 =	vperm.xlane v10, v2;
	v8 =	vsel vm13, v8, v18  }
0xd0: {  	[tilespmem:s9+$0x2000] =	vst v21;
	v51 =	vnsel vm2, $0x0, v14;
	v14 =	vnsel vm3, $0x0, v14;
	vm15 =	veq.s32 v8, v5  }
0xd1: {  	[tilespmem:s9+$0x2010] =	vst v20;
	vm12 =	veq.s32 v8, v4;
	v47 =	vnsel vm15, $0x0, v9;
	vm15 =	vlt.s32 v10, v48  }
0xd2: {  	[tilespmem:s9+$0x2020] =	vst v17;
	vm13 =	veq.s32 v8, v7;
	vm14 =	veq.s32 v8, v6;
	v10 =	vsel vm15, v10, v48  }
0xd3: {  	[tilespmem:s10+$0x2030] =	vst v16;
	v49 =	vnsel vm12, $0x0, v9;
	v8 =	vnsel vm13, $0x0, v9;
	v52 =	vperm.xlane v10, v3;
	v53 =	vpop (erf)  }
0xd4: {  	[tilespmem:s10+$0x2010] =	vst v12;
	v9 =	vnsel vm14, $0x0, v9;
	v15 =	vadd.f32 v47, v46;
	v55 =	vadd.f32 v53, v53  }
0xd5: {  	[tilespmem:s10+$0x2000] =	vst v13;
	v54 =	vadd.f32 v49, v50;
	v8 =	vadd.f32 v8, v51;
	vm9 =	vlt.s32 v10, v52  }
0xd6: {  	[tilespmem:s10+$0x2020] =	vst v11;
	v9 =	vadd.f32 v9, v14;
	v10 =	vsel vm9, v10, v52;
	v56 =	vmul.f32 v55, v43  }
0xd7: {  	[tilespmem:s11+$0x2030] =	vst v15;
	vm12 =	veq.s32 v10, v5;
	vm13 =	veq.s32 v10, v4;
	vm14 =	veq.s32 v10, v7  }
0xd8: {  	[tilespmem:s11+$0x2000] =	vst v54;
	vm15 =	veq.s32 v10, v6;
	v57 =	vnsel vm0, $0x0, v55;
	v58 =	vnsel vm12, $0x0, v56  }
0xd9: {  	[tilespmem:s11+$0x2010] =	vst v8;
	v59 =	vnsel vm10, $0x0, v55;
	v8 =	vnsel vm13, $0x0, v56;
	v11 =	vadd.f32 v58, v57  }
0xda: {  	[tilespmem:s11+$0x2020] =	vst v9;
	v61 =	vnsel vm11, $0x0, v55;
	v60 =	vnsel vm14, $0x0, v56;
	v8 =	vadd.f32 v8, v59  }
0xdb: {  	v63 =	vnsel vm4, $0x0, v55;
	v62 =	vnsel vm15, $0x0, v56;
	v9 =	vadd.f32 v60, v61;
	[tilespmem:s12+$0x2030] =	vst v11  }
0xdc: {  	s8 =	sadd.s32 $0x1, s8;
	v10 =	vadd.f32 v62, v63;
	[tilespmem:s12+$0x2000] =	vst v8  }
0xdd: {  	p0 =	sne.s32 s8, s5;
	[tilespmem:s12+$0x2010] =	vst v9  }
.Ltmp1:
0xde: {  	[tilespmem:s12+$0x2020] =	vst v10;
	(pc) =	sbr.rel @p0 .LBB2_1-.Ltmp1, $4  }
0xdf: {  	[hbm4b:s4+s1] =	stream.linear.scatter [tilespmem:s7], [sflag:$0x1], $0x2000, $0x38;
	[tilespmem:$0x4000] =	vst v63  }
0xe0: {  	_ =	swait.ge [sflag:s6], $0x2000  }
0xe1: {  	[sflag:s6] =	ssyncset.done $0x0  }
0xe2: {  	[sflag:s6] =	ssyncadd.s32 $0xFFFFE000  }
0xe3: {  	_ =	sfence.sel $0x180000  }
0xe4: {  	[bflag:$0x0] =	sbarrier.arrive $0xFFFF  }
0xe5: {  	p0 =	sne.s32 s2, $0x0;
	_ =	strace $0x90000047  }
0xe6: {  	s0 =	sadd.s32 @!p0 $0x100000, s0;
	[bflag:$0x2] =	sbarrier.arrive $0xFFFF  }
0xe7: {  	[sflag:s0] =	ssyncadd.tile.s32 @!p0 $0x1;
	_ =	shalt  }
.Lfunc_end2:
_tile_overlayer_lowered:
.L_overlay_start_2:
0xe8: {  	(tag) =	ssettag $0x2  }
0xe9: {  	s0 =	rddreg [dreg:$0x0];
	s2 =	stileid.u32  }
0xea: {  	s1 =	rddreg [dreg:$0x1];
	p0 =	sne.s32 s2, $0x0  }
0xeb: {  	s3 =	rddreg [dreg:$0x2];
	[bflag:$0x3] =	sbarrier.arrive $0xFFFF;
	s2 =	simm.s32 @!p0 $0x1C01  }
0xec: {  	[timem:s3], [sflag:s2] =	dma.local @!p0 [hbm:s0], s1  }
0xed: {  	s0 =	simm.s32 @!p0 $0x1  }
0xee: {  	_ =	swait.ge @!p0 [sflag:s0], s1  }
0xef: {  	s1 =	ssub.s32 @!p0 $0x0, s1;
	[sflag:s0] =	ssyncset.done @!p0 $0x0  }
0xf0: {  	[sflag:s0] =	ssyncadd.s32 @!p0 s1  }
0xf1: {  	[bflag:$0x3] =	sbarrier.arrive $0xFFFF  }
0xf2: {  	_ =	shalt  }

</sc_bundles>
